<compile_context>
chip_gen: v7x
topology: tpu7x:2x2x1
jax: 0.10.2.dev20260603
libtpu: 0.0.44.dev20260713+nightly
codegen_flags: <defaults>
</compile_context>

<pallas_src>
import jax
import jax.numpy as jnp
import numpy as np
from jax import lax
from jax.experimental import pallas as pl
from jax.experimental.pallas import tpu as pltpu
from jax.experimental.pallas import tpu_sc as plsc

_N = 20000
_MAX_OUT = 100
_IOU_THRESH = np.float32(0.3)
_NEG = np.float32(-1e9)
_LANES = 16
_NUM_TILES = 16
_TPT = 1280
_NPAD = _NUM_TILES * _TPT
_CHUNKS = _TPT // _LANES
_ROWLEN = _LANES
_FAR = np.float32(-1e6)
_FLT_MIN = np.float32(-3.4e38)
_FLT_MAX = np.float32(3.4e38)
_ZERO = np.float32(0.0)
_ONE = np.float32(1.0)
_EPS = np.float32(1e-8)


def _nms_body(y1_h, x1_h, y2_h, x2_h, sm_h, out_h,
              y1v, x1v, y2v, x2v, smv, stagev, checkv, bufv, outv, shared):
    cid = lax.axis_index("c")
    wid = lax.axis_index("s")
    base = wid * _TPT
    lanes = lax.iota(jnp.int32, _LANES)
    pltpu.sync_copy(y1_h.at[pl.ds(base, _TPT)], y1v)
    pltpu.sync_copy(x1_h.at[pl.ds(base, _TPT)], x1v)
    pltpu.sync_copy(y2_h.at[pl.ds(base, _TPT)], y2v)
    pltpu.sync_copy(x2_h.at[pl.ds(base, _TPT)], x2v)
    pltpu.sync_copy(sm_h.at[pl.ds(base, _TPT)], smv)

    def fused_pass(wy1, wx1, wy2, wx2):
        warea = (wy2 - wy1) * (wx2 - wx1)

        best0 = jnp.full((_LANES,), _FLT_MIN, jnp.float32)
        bidx0 = jnp.zeros((_LANES,), jnp.int32)

        @plsc.parallel_loop(0, _CHUNKS, carry=(best0, bidx0))
        def ploop(c, carry):
            best, bidx = carry
            off = c * _LANES
            vs = smv[pl.ds(off, _LANES)]
            vy1 = y1v[pl.ds(off, _LANES)]
            vx1 = x1v[pl.ds(off, _LANES)]
            vy2 = y2v[pl.ds(off, _LANES)]
            vx2 = x2v[pl.ds(off, _LANES)]
            yy1 = jnp.maximum(wy1, vy1)
            xx1 = jnp.maximum(wx1, vx1)
            yy2 = jnp.minimum(wy2, vy2)
            xx2 = jnp.minimum(wx2, vx2)
            inter = jnp.maximum(yy2 - yy1, _ZERO) * jnp.maximum(xx2 - xx1, _ZERO)
            area2 = (vy2 - vy1) * (vx2 - vx1)
            union = warea + area2 - inter
            iou = inter / jnp.maximum(union, _EPS)
            ns = jnp.where(iou > _IOU_THRESH, _NEG, vs)
            smv[pl.ds(off, _LANES)] = ns
            idxv = lanes + (base + off)
            upd = ns > best
            best = jnp.where(upd, ns, best)
            bidx = jnp.where(upd, idxv, bidx)
            return best, bidx

        best, bidx = ploop
        m = jnp.max(best)
        cand = jnp.where(best == m, bidx, jnp.int32(2**31 - 1))
        li = jnp.min(cand)
        pv = jnp.full((_LANES,), li - base, jnp.int32)
        cy1 = jnp.max(plsc.load_gather(y1v, [pv]))
        cx1 = jnp.max(plsc.load_gather(x1v, [pv]))
        cy2 = jnp.max(plsc.load_gather(y2v, [pv]))
        cx2 = jnp.max(plsc.load_gather(x2v, [pv]))
        return m, li, cy1, cx1, cy2, cx2

    def step(s, carry):
        m, li, cy1, cx1, cy2, cx2 = carry
        sf = s.astype(jnp.float32)
        stage = jnp.where(lanes == 0, m,
                jnp.where(lanes == 1, li.astype(jnp.float32),
                jnp.where(lanes == 2, cy1,
                jnp.where(lanes == 3, cx1,
                jnp.where(lanes == 4, cy2,
                jnp.where(lanes == 5, cx2, sf))))))
        stagev[...] = stage
        parity = lax.rem(s, 2)

        def pub_cond(c):
            it, ok = c
            return jnp.logical_and(it < 16, jnp.logical_not(ok))

        slot = parity * (_NUM_TILES * _ROWLEN)
        myoff = slot + wid * _ROWLEN

        def pub_body(c):
            it, ok = c
            pltpu.sync_copy(stagev, shared.at[pl.ds(myoff, _ROWLEN)])
            pltpu.sync_copy(shared.at[pl.ds(myoff, _ROWLEN)], checkv)
            ok2 = jnp.all(checkv[...] == stage)
            return it + jnp.int32(1), ok2

        lax.while_loop(pub_cond, pub_body, (jnp.int32(0), jnp.bool_(False)))
        plsc.subcore_barrier()

        def rd_cond(c):
            it, ok = c
            return jnp.logical_and(it < 64, jnp.logical_not(ok))

        rowidx = lanes * _ROWLEN

        def rd_body(c):
            it, ok = c
            pltpu.sync_copy(shared.at[pl.ds(slot, _NUM_TILES * _ROWLEN)], bufv)
            stamps = plsc.load_gather(bufv, [rowidx + 7])
            return it + jnp.int32(1), jnp.min(stamps) == sf

        lax.while_loop(rd_cond, rd_body, (jnp.int32(0), jnp.bool_(False)))

        vals = plsc.load_gather(bufv, [rowidx])
        idxf = plsc.load_gather(bufv, [rowidx + 1])
        y1d = plsc.load_gather(bufv, [rowidx + 2])
        x1d = plsc.load_gather(bufv, [rowidx + 3])
        y2d = plsc.load_gather(bufv, [rowidx + 4])
        x2d = plsc.load_gather(bufv, [rowidx + 5])
        gv = jnp.max(vals)
        gif = jnp.min(jnp.where(vals == gv, idxf, _FLT_MAX))
        sel = idxf == gif
        wy1 = jnp.sum(jnp.where(sel, y1d, _ZERO))
        wx1 = jnp.sum(jnp.where(sel, x1d, _ZERO))
        wy2 = jnp.sum(jnp.where(sel, y2d, _ZERO))
        wx2 = jnp.sum(jnp.where(sel, x2d, _ZERO))
        valid = gv > jnp.float32(-5e8)
        f = jnp.where(valid, _ONE, _ZERO)
        outv[pl.ds(s * _LANES, _LANES)] = jnp.full((_LANES,), wy1 * f, jnp.float32)
        outv[pl.ds((s + _MAX_OUT) * _LANES, _LANES)] = jnp.full((_LANES,), wx1 * f, jnp.float32)
        outv[pl.ds((s + 2 * _MAX_OUT) * _LANES, _LANES)] = jnp.full((_LANES,), wy2 * f, jnp.float32)
        outv[pl.ds((s + 3 * _MAX_OUT) * _LANES, _LANES)] = jnp.full((_LANES,), wx2 * f, jnp.float32)
        outv[pl.ds((s + 4 * _MAX_OUT) * _LANES, _LANES)] = jnp.full((_LANES,), gv * f, jnp.float32)
        ny1 = jnp.where(valid, wy1, _FAR)
        nx1 = jnp.where(valid, wx1, _FAR)
        ny2 = jnp.where(valid, wy2, _FAR)
        nx2 = jnp.where(valid, wx2, _FAR)
        return fused_pass(ny1, nx1, ny2, nx2)

    carry0 = fused_pass(_FAR, _FAR, _FAR, _FAR)
    lax.fori_loop(0, _MAX_OUT, step, carry0)

    @pl.when((cid == 0) & (wid == 0))
    def _():
        pltpu.sync_copy(outv, out_h)


@jax.jit
def _nms(y1, x1, y2, x2, sm):
    mesh = plsc.VectorSubcoreMesh(
        core_axis_name="c", subcore_axis_name="s",
        num_cores=2, num_subcores=_NUM_TILES)
    f32 = jnp.float32
    return pl.kernel(
        _nms_body,
        out_type=jax.ShapeDtypeStruct((5 * _MAX_OUT * _LANES,), f32),
        mesh=mesh,
        compiler_params=pltpu.CompilerParams(needs_layout_passes=False),
        scratch_types=[
            pltpu.VMEM((_TPT,), f32),
            pltpu.VMEM((_TPT,), f32),
            pltpu.VMEM((_TPT,), f32),
            pltpu.VMEM((_TPT,), f32),
            pltpu.VMEM((_TPT,), f32),
            pltpu.VMEM((_ROWLEN,), f32),
            pltpu.VMEM((_ROWLEN,), f32),
            pltpu.VMEM((_NUM_TILES * _ROWLEN,), f32),
            pltpu.VMEM((5 * _MAX_OUT * _LANES,), f32),
            pltpu.VMEM_SHARED((2 * _NUM_TILES * _ROWLEN,), f32),
        ],
    )(y1, x1, y2, x2, sm)


def kernel(boxes, scores):
    n = boxes.shape[0]
    pad = _NPAD - n
    zpad = jnp.zeros((pad,), jnp.float32)
    y1 = jnp.concatenate([boxes[:, 0], zpad])
    x1 = jnp.concatenate([boxes[:, 1], zpad])
    y2 = jnp.concatenate([boxes[:, 2], zpad])
    x2 = jnp.concatenate([boxes[:, 3], zpad])
    sm = jnp.concatenate([scores, jnp.full((pad,), _NEG, jnp.float32)])
    out = _nms(y1, x1, y2, x2, sm)
    return jnp.transpose(out.reshape(5, _MAX_OUT, _LANES)[:, :, 0])

# --- scband reference (transcript-rebuilt; emitter-appended) ---
"""Pipeline reference for scband-mask-rcnn-87900800680162 (READ-ONLY COPY).

The authoritative reference and input builder live on the scoring server;
editing this copy changes nothing except your own understanding.
"""

import jax, jax.numpy as jnp
import numpy as np

N = 20000
MAX_OUT = 100
IOU_THRESH = 0.3
NEG = jnp.float32(-1e9)


def setup_inputs(seed: int = 0) -> dict:
    key = jax.random.key(seed)
    k1, k2 = jax.random.split(key)
    raw = jax.random.uniform(k1, (N, 4), dtype=jnp.float32)
    y1 = jnp.minimum(raw[:, 0], raw[:, 2])
    y2 = jnp.maximum(raw[:, 0], raw[:, 2]) + 1e-3
    x1 = jnp.minimum(raw[:, 1], raw[:, 3])
    x2 = jnp.maximum(raw[:, 1], raw[:, 3]) + 1e-3
    boxes = jnp.stack([y1, x1, y2, x2], axis=1)
    scores = jax.random.uniform(k2, (N,), dtype=jnp.float32)
    return {"boxes": boxes, "scores": scores}


def _iou_one_to_many(box, boxes):
    yy1 = jnp.maximum(box[0], boxes[:, 0])
    xx1 = jnp.maximum(box[1], boxes[:, 1])
    yy2 = jnp.minimum(box[2], boxes[:, 2])
    xx2 = jnp.minimum(box[3], boxes[:, 3])
    inter = jnp.clip(yy2 - yy1, 0.0) * jnp.clip(xx2 - xx1, 0.0)
    area1 = (box[2] - box[0]) * (box[3] - box[1])
    area2 = (boxes[:, 2] - boxes[:, 0]) * (boxes[:, 3] - boxes[:, 1])
    union = area1 + area2 - inter
    return inter / jnp.maximum(union, 1e-8)


def reference(boxes, scores):
    # Greedy hard NMS: repeatedly pick highest-scoring active box,
    # suppress all active boxes with IoU > threshold.
    def step(active, _):
        masked = jnp.where(active, scores, NEG)
        idx = jnp.argmax(masked)
        valid = masked[idx] > (NEG * 0.5)
        ious = _iou_one_to_many(boxes[idx], boxes)
        suppress = (ious > IOU_THRESH) & valid
        active = active & (~suppress)
        active = active.at[idx].set(False)
        return active, (idx, valid)

    active0 = jnp.ones((boxes.shape[0],), dtype=bool)
    _, (sel_idx, sel_valid) = jax.lax.scan(step, active0, None, length=MAX_OUT)
    out_boxes = jnp.take(boxes, sel_idx, axis=0) * sel_valid[:, None].astype(boxes.dtype)
    out_scores = jnp.take(scores, sel_idx, axis=0) * sel_valid.astype(scores.dtype)
    return jnp.concatenate([out_boxes, out_scores[:, None]], axis=1)

if __name__ == "__main__":
    import jax
    _d = setup_inputs()
    print(jax.jit(kernel)(*tuple(_d.values())))

</pallas_src>

<mosaic_0001>
#map = affine_map<(d0, d1) -> (0)>
module attributes {stable_mosaic.version = 14 : i64} {
  func.func @_nms_body(%arg0: i32, %arg1: i32, %arg2: memref<20480xf32, #tpu.memory_space<hbm>>, %arg3: memref<20480xf32, #tpu.memory_space<hbm>>, %arg4: memref<20480xf32, #tpu.memory_space<hbm>>, %arg5: memref<20480xf32, #tpu.memory_space<hbm>>, %arg6: memref<20480xf32, #tpu.memory_space<hbm>>, %arg7: memref<8000xf32, #tpu.memory_space<hbm>>, %arg8: memref<1280xf32, #tpu.memory_space<vmem>>, %arg9: memref<1280xf32, #tpu.memory_space<vmem>>, %arg10: memref<1280xf32, #tpu.memory_space<vmem>>, %arg11: memref<1280xf32, #tpu.memory_space<vmem>>, %arg12: memref<1280xf32, #tpu.memory_space<vmem>>, %arg13: memref<16xf32, #tpu.memory_space<vmem>>, %arg14: memref<16xf32, #tpu.memory_space<vmem>>, %arg15: memref<256xf32, #tpu.memory_space<vmem>>, %arg16: memref<8000xf32, #tpu.memory_space<vmem>>, %arg17: memref<512xf32, #tpu.memory_space<vmem_shared>>) attributes {dimension_semantics = [#tpu.dimension_semantics<core_parallel>, #tpu.dimension_semantics<subcore_parallel>], iteration_bounds = array<i64: 2, 16>, scalar_prefetch = 0 : i64, scratch_operands = 10 : i64, tpu.core_type = #tpu.core_type<sc_vector_subcore>, window_params = [{transform_indices = #map}, {transform_indices = #map}, {transform_indices = #map}, {transform_indices = #map}, {transform_indices = #map}, {transform_indices = #map}]} {
    %mul3A = arith.constant 1280 : i32
    %mul3A_0 = arith.muli %arg1, %mul3A : i32
    %iota3A = tpu.iota {dimensions = array<i32: 0>} : vector<16xi32>
    "tpu.region"() ({
      %run_scoped3A = tpu.sem_alloc : memref<!tpu.dma_semaphore, #tpu.memory_space<semaphore_mem>>
      %dma_start3A = tpu.memref_slice %arg2[%mul3A_0] : memref<20480xf32, #tpu.memory_space<hbm>> -> memref<1280xf32, #tpu.memory_space<hbm>>
      %dma_start3A_49 = tpu.memref_slice %arg2[%mul3A_0] : memref<20480xf32, #tpu.memory_space<hbm>> -> memref<1280xf32, #tpu.memory_space<hbm>>
      tpu.enqueue_dma source(%dma_start3A_49 : memref<1280xf32, #tpu.memory_space<hbm>>) target(%arg8 : memref<1280xf32, #tpu.memory_space<vmem>>) target_semaphore(%run_scoped3A : memref<!tpu.dma_semaphore, #tpu.memory_space<semaphore_mem>>)
      %dma_wait3A = tpu.memref_slice %arg2[%mul3A_0] : memref<20480xf32, #tpu.memory_space<hbm>> -> memref<1280xf32, #tpu.memory_space<hbm>>
      %dma_wait3A_50 = tpu.memref_slice %arg2[%mul3A_0] : memref<20480xf32, #tpu.memory_space<hbm>> -> memref<1280xf32, #tpu.memory_space<hbm>>
      tpu.wait_dma2 semaphore(%run_scoped3A : memref<!tpu.dma_semaphore, #tpu.memory_space<semaphore_mem>>) src(%dma_wait3A_50 : memref<1280xf32, #tpu.memory_space<hbm>>) dst(%arg8 : memref<1280xf32, #tpu.memory_space<vmem>>)
      tpu.yield
    }) : () -> ()
    "tpu.region"() ({
      %run_scoped3A = tpu.sem_alloc : memref<!tpu.dma_semaphore, #tpu.memory_space<semaphore_mem>>
      %dma_start3A = tpu.memref_slice %arg3[%mul3A_0] : memref<20480xf32, #tpu.memory_space<hbm>> -> memref<1280xf32, #tpu.memory_space<hbm>>
      %dma_start3A_49 = tpu.memref_slice %arg3[%mul3A_0] : memref<20480xf32, #tpu.memory_space<hbm>> -> memref<1280xf32, #tpu.memory_space<hbm>>
      tpu.enqueue_dma source(%dma_start3A_49 : memref<1280xf32, #tpu.memory_space<hbm>>) target(%arg9 : memref<1280xf32, #tpu.memory_space<vmem>>) target_semaphore(%run_scoped3A : memref<!tpu.dma_semaphore, #tpu.memory_space<semaphore_mem>>)
      %dma_wait3A = tpu.memref_slice %arg3[%mul3A_0] : memref<20480xf32, #tpu.memory_space<hbm>> -> memref<1280xf32, #tpu.memory_space<hbm>>
      %dma_wait3A_50 = tpu.memref_slice %arg3[%mul3A_0] : memref<20480xf32, #tpu.memory_space<hbm>> -> memref<1280xf32, #tpu.memory_space<hbm>>
      tpu.wait_dma2 semaphore(%run_scoped3A : memref<!tpu.dma_semaphore, #tpu.memory_space<semaphore_mem>>) src(%dma_wait3A_50 : memref<1280xf32, #tpu.memory_space<hbm>>) dst(%arg9 : memref<1280xf32, #tpu.memory_space<vmem>>)
      tpu.yield
    }) : () -> ()
    "tpu.region"() ({
      %run_scoped3A = tpu.sem_alloc : memref<!tpu.dma_semaphore, #tpu.memory_space<semaphore_mem>>
      %dma_start3A = tpu.memref_slice %arg4[%mul3A_0] : memref<20480xf32, #tpu.memory_space<hbm>> -> memref<1280xf32, #tpu.memory_space<hbm>>
      %dma_start3A_49 = tpu.memref_slice %arg4[%mul3A_0] : memref<20480xf32, #tpu.memory_space<hbm>> -> memref<1280xf32, #tpu.memory_space<hbm>>
      tpu.enqueue_dma source(%dma_start3A_49 : memref<1280xf32, #tpu.memory_space<hbm>>) target(%arg10 : memref<1280xf32, #tpu.memory_space<vmem>>) target_semaphore(%run_scoped3A : memref<!tpu.dma_semaphore, #tpu.memory_space<semaphore_mem>>)
      %dma_wait3A = tpu.memref_slice %arg4[%mul3A_0] : memref<20480xf32, #tpu.memory_space<hbm>> -> memref<1280xf32, #tpu.memory_space<hbm>>
      %dma_wait3A_50 = tpu.memref_slice %arg4[%mul3A_0] : memref<20480xf32, #tpu.memory_space<hbm>> -> memref<1280xf32, #tpu.memory_space<hbm>>
      tpu.wait_dma2 semaphore(%run_scoped3A : memref<!tpu.dma_semaphore, #tpu.memory_space<semaphore_mem>>) src(%dma_wait3A_50 : memref<1280xf32, #tpu.memory_space<hbm>>) dst(%arg10 : memref<1280xf32, #tpu.memory_space<vmem>>)
      tpu.yield
    }) : () -> ()
    "tpu.region"() ({
      %run_scoped3A = tpu.sem_alloc : memref<!tpu.dma_semaphore, #tpu.memory_space<semaphore_mem>>
      %dma_start3A = tpu.memref_slice %arg5[%mul3A_0] : memref<20480xf32, #tpu.memory_space<hbm>> -> memref<1280xf32, #tpu.memory_space<hbm>>
      %dma_start3A_49 = tpu.memref_slice %arg5[%mul3A_0] : memref<20480xf32, #tpu.memory_space<hbm>> -> memref<1280xf32, #tpu.memory_space<hbm>>
      tpu.enqueue_dma source(%dma_start3A_49 : memref<1280xf32, #tpu.memory_space<hbm>>) target(%arg11 : memref<1280xf32, #tpu.memory_space<vmem>>) target_semaphore(%run_scoped3A : memref<!tpu.dma_semaphore, #tpu.memory_space<semaphore_mem>>)
      %dma_wait3A = tpu.memref_slice %arg5[%mul3A_0] : memref<20480xf32, #tpu.memory_space<hbm>> -> memref<1280xf32, #tpu.memory_space<hbm>>
      %dma_wait3A_50 = tpu.memref_slice %arg5[%mul3A_0] : memref<20480xf32, #tpu.memory_space<hbm>> -> memref<1280xf32, #tpu.memory_space<hbm>>
      tpu.wait_dma2 semaphore(%run_scoped3A : memref<!tpu.dma_semaphore, #tpu.memory_space<semaphore_mem>>) src(%dma_wait3A_50 : memref<1280xf32, #tpu.memory_space<hbm>>) dst(%arg11 : memref<1280xf32, #tpu.memory_space<vmem>>)
      tpu.yield
    }) : () -> ()
    "tpu.region"() ({
      %run_scoped3A = tpu.sem_alloc : memref<!tpu.dma_semaphore, #tpu.memory_space<semaphore_mem>>
      %dma_start3A = tpu.memref_slice %arg6[%mul3A_0] : memref<20480xf32, #tpu.memory_space<hbm>> -> memref<1280xf32, #tpu.memory_space<hbm>>
      %dma_start3A_49 = tpu.memref_slice %arg6[%mul3A_0] : memref<20480xf32, #tpu.memory_space<hbm>> -> memref<1280xf32, #tpu.memory_space<hbm>>
      tpu.enqueue_dma source(%dma_start3A_49 : memref<1280xf32, #tpu.memory_space<hbm>>) target(%arg12 : memref<1280xf32, #tpu.memory_space<vmem>>) target_semaphore(%run_scoped3A : memref<!tpu.dma_semaphore, #tpu.memory_space<semaphore_mem>>)
      %dma_wait3A = tpu.memref_slice %arg6[%mul3A_0] : memref<20480xf32, #tpu.memory_space<hbm>> -> memref<1280xf32, #tpu.memory_space<hbm>>
      %dma_wait3A_50 = tpu.memref_slice %arg6[%mul3A_0] : memref<20480xf32, #tpu.memory_space<hbm>> -> memref<1280xf32, #tpu.memory_space<hbm>>
      tpu.wait_dma2 semaphore(%run_scoped3A : memref<!tpu.dma_semaphore, #tpu.memory_space<semaphore_mem>>) src(%dma_wait3A_50 : memref<1280xf32, #tpu.memory_space<hbm>>) dst(%arg12 : memref<1280xf32, #tpu.memory_space<vmem>>)
      tpu.yield
    }) : () -> ()
    %broadcast_in_dim3A = arith.constant -3.400000e+38 : f32
    %broadcast_in_dim3A_1 = vector.broadcast %broadcast_in_dim3A : f32 to vector<16xf32>
    %broadcast_in_dim3A_2 = arith.constant 0 : i32
    %broadcast_in_dim3A_3 = vector.broadcast %broadcast_in_dim3A_2 : i32 to vector<16xi32>
    %parallel_loop3A = arith.constant 0 : i32
    %parallel_loop3A_4 = arith.constant 80 : i32
    %parallel_loop3A_5 = arith.constant 1 : i32
    %parallel_loop3A_6:2 = scf.for %parallel_loop3A_49 = %parallel_loop3A to %parallel_loop3A_4 step %parallel_loop3A_5 iter_args(%parallel_loop3A_50 = %broadcast_in_dim3A_1, %parallel_loop3A_51 = %broadcast_in_dim3A_3) -> (vector<16xf32>, vector<16xi32>)  : i32 {
      %parallel_loop3A_52 = arith.constant 16 : i32
      %parallel_loop3A_53 = arith.muli %parallel_loop3A_49, %parallel_loop3A_52 : i32
      %parallel_loop3A_54 = arith.index_cast %parallel_loop3A_53 : i32 to index
      %parallel_loop3A_55 = tpu.vector_load %arg12[%parallel_loop3A_54] {strides = array<i32>} : memref<1280xf32, #tpu.memory_space<vmem>>, vector<16xf32>,
      %parallel_loop3A_56 = arith.index_cast %parallel_loop3A_53 : i32 to index
      %parallel_loop3A_57 = tpu.vector_load %arg8[%parallel_loop3A_56] {strides = array<i32>} : memref<1280xf32, #tpu.memory_space<vmem>>, vector<16xf32>,
      %parallel_loop3A_58 = arith.index_cast %parallel_loop3A_53 : i32 to index
      %parallel_loop3A_59 = tpu.vector_load %arg9[%parallel_loop3A_58] {strides = array<i32>} : memref<1280xf32, #tpu.memory_space<vmem>>, vector<16xf32>,
      %parallel_loop3A_60 = arith.index_cast %parallel_loop3A_53 : i32 to index
      %parallel_loop3A_61 = tpu.vector_load %arg10[%parallel_loop3A_60] {strides = array<i32>} : memref<1280xf32, #tpu.memory_space<vmem>>, vector<16xf32>,
      %parallel_loop3A_62 = arith.index_cast %parallel_loop3A_53 : i32 to index
      %parallel_loop3A_63 = tpu.vector_load %arg11[%parallel_loop3A_62] {strides = array<i32>} : memref<1280xf32, #tpu.memory_space<vmem>>, vector<16xf32>,
      %parallel_loop3A_64 = arith.constant -1.000000e+06 : f32
      %parallel_loop3A_65 = vector.broadcast %parallel_loop3A_64 : f32 to vector<16xf32>
      %parallel_loop3A_66 = arith.maximumf %parallel_loop3A_65, %parallel_loop3A_57 : vector<16xf32>
      %parallel_loop3A_67 = arith.constant -1.000000e+06 : f32
      %parallel_loop3A_68 = vector.broadcast %parallel_loop3A_67 : f32 to vector<16xf32>
      %parallel_loop3A_69 = arith.maximumf %parallel_loop3A_68, %parallel_loop3A_59 : vector<16xf32>
      %parallel_loop3A_70 = arith.constant -1.000000e+06 : f32
      %parallel_loop3A_71 = vector.broadcast %parallel_loop3A_70 : f32 to vector<16xf32>
      %parallel_loop3A_72 = arith.minimumf %parallel_loop3A_71, %parallel_loop3A_61 : vector<16xf32>
      %parallel_loop3A_73 = arith.constant -1.000000e+06 : f32
      %parallel_loop3A_74 = vector.broadcast %parallel_loop3A_73 : f32 to vector<16xf32>
      %parallel_loop3A_75 = arith.minimumf %parallel_loop3A_74, %parallel_loop3A_63 : vector<16xf32>
      %parallel_loop3A_76 = arith.subf %parallel_loop3A_72, %parallel_loop3A_66 : vector<16xf32>
      %parallel_loop3A_77 = arith.constant 0.000000e+00 : f32
      %parallel_loop3A_78 = vector.broadcast %parallel_loop3A_77 : f32 to vector<16xf32>
      %parallel_loop3A_79 = arith.maximumf %parallel_loop3A_76, %parallel_loop3A_78 : vector<16xf32>
      %parallel_loop3A_80 = arith.subf %parallel_loop3A_75, %parallel_loop3A_69 : vector<16xf32>
      %parallel_loop3A_81 = arith.constant 0.000000e+00 : f32
      %parallel_loop3A_82 = vector.broadcast %parallel_loop3A_81 : f32 to vector<16xf32>
      %parallel_loop3A_83 = arith.maximumf %parallel_loop3A_80, %parallel_loop3A_82 : vector<16xf32>
      %parallel_loop3A_84 = arith.mulf %parallel_loop3A_79, %parallel_loop3A_83 : vector<16xf32>
      %parallel_loop3A_85 = arith.subf %parallel_loop3A_61, %parallel_loop3A_57 : vector<16xf32>
      %parallel_loop3A_86 = arith.subf %parallel_loop3A_63, %parallel_loop3A_59 : vector<16xf32>
      %parallel_loop3A_87 = arith.mulf %parallel_loop3A_85, %parallel_loop3A_86 : vector<16xf32>
      %parallel_loop3A_88 = arith.constant 0.000000e+00 : f32
      %parallel_loop3A_89 = vector.broadcast %parallel_loop3A_88 : f32 to vector<16xf32>
      %parallel_loop3A_90 = arith.addf %parallel_loop3A_89, %parallel_loop3A_87 : vector<16xf32>
      %parallel_loop3A_91 = arith.subf %parallel_loop3A_90, %parallel_loop3A_84 : vector<16xf32>
      %parallel_loop3A_92 = arith.constant 9.99999993E-9 : f32
      %parallel_loop3A_93 = vector.broadcast %parallel_loop3A_92 : f32 to vector<16xf32>
      %parallel_loop3A_94 = arith.maximumf %parallel_loop3A_91, %parallel_loop3A_93 : vector<16xf32>
      %parallel_loop3A_95 = arith.divf %parallel_loop3A_84, %parallel_loop3A_94 : vector<16xf32>
      %parallel_loop3A_96 = arith.constant 3.000000e-01 : f32
      %parallel_loop3A_97 = vector.broadcast %parallel_loop3A_96 : f32 to vector<16xf32>
      %parallel_loop3A_98 = arith.cmpf ogt, %parallel_loop3A_95, %parallel_loop3A_97 : vector<16xf32>
      %parallel_loop3A_99 = arith.constant -1.000000e+09 : f32
      %parallel_loop3A_100 = vector.broadcast %parallel_loop3A_99 : f32 to vector<16xf32>
      %parallel_loop3A_101 = arith.select %parallel_loop3A_98, %parallel_loop3A_100, %parallel_loop3A_55 : vector<16xi1>, vector<16xf32>
      %parallel_loop3A_102 = arith.index_cast %parallel_loop3A_53 : i32 to index
      %parallel_loop3A_103 = tpu.vector_load %arg12[%parallel_loop3A_102] {strides = array<i32>} : memref<1280xf32, #tpu.memory_space<vmem>>, vector<16xf32>,
      tpu.vector_store %arg12[%parallel_loop3A_102], %parallel_loop3A_101 {strides = array<i32>} : memref<1280xf32, #tpu.memory_space<vmem>>, vector<16xf32>,
      %parallel_loop3A_104 = arith.addi %mul3A_0, %parallel_loop3A_53 : i32
      %parallel_loop3A_105 = vector.broadcast %parallel_loop3A_104 : i32 to vector<16xi32>
      %parallel_loop3A_106 = arith.addi %iota3A, %parallel_loop3A_105 : vector<16xi32>
      %parallel_loop3A_107 = arith.cmpf ogt, %parallel_loop3A_101, %parallel_loop3A_50 : vector<16xf32>
      %parallel_loop3A_108 = arith.select %parallel_loop3A_107, %parallel_loop3A_101, %parallel_loop3A_50 : vector<16xi1>, vector<16xf32>
      %parallel_loop3A_109 = arith.select %parallel_loop3A_107, %parallel_loop3A_106, %parallel_loop3A_51 : vector<16xi1>, vector<16xi32>
      scf.yield %parallel_loop3A_108, %parallel_loop3A_109 : vector<16xf32>, vector<16xi32>
    } {sc.loop_unroll_factor = 1 : i64, sc.parallel_access}
    %reduce_max3A = arith.constant true
    %reduce_max3A_7 = vector.broadcast %reduce_max3A : i1 to vector<16xi1>
    %reduce_max3A_8 = tpu.scan <max>, %parallel_loop3A_6#0 masked %reduce_max3A_7 : vector<16xf32>, vector<16xi1> -> vector<16xf32>
    %reduce_max3A_9 = vector.extract %reduce_max3A_8[15] : f32 from vector<16xf32>
    %eq3A = vector.broadcast %reduce_max3A_9 : f32 to vector<16xf32>
    %eq3A_10 = arith.cmpf oeq, %parallel_loop3A_6#0, %eq3A : vector<16xf32>
    %jit3A = arith.constant 2147483647 : i32
    %broadcast_in_dim3A_11 = vector.broadcast %jit3A : i32 to vector<16xi32>
    %select_n3A = arith.select %eq3A_10, %parallel_loop3A_6#1, %broadcast_in_dim3A_11 : vector<16xi1>, vector<16xi32>
    %reduce_min3A = arith.constant true
    %reduce_min3A_12 = vector.broadcast %reduce_min3A : i1 to vector<16xi1>
    %reduce_min3A_13 = arith.constant -2147483648 : i32
    %reduce_min3A_14 = vector.broadcast %reduce_min3A_13 : i32 to vector<16xi32>
    %reduce_min3A_15 = arith.xori %select_n3A, %reduce_min3A_14 : vector<16xi32>
    %reduce_min3A_16 = tpu.scan <min>, %reduce_min3A_15 masked %reduce_min3A_12 : vector<16xi32>, vector<16xi1> -> vector<16xi32>
    %reduce_min3A_17 = arith.xori %reduce_min3A_16, %reduce_min3A_14 : vector<16xi32>
    %reduce_min3A_18 = vector.extract %reduce_min3A_17[15] : i32 from vector<16xi32>
    %sub3A = arith.subi %reduce_min3A_18, %mul3A_0 : i32
    %broadcast_in_dim3A_19 = vector.broadcast %sub3A : i32 to vector<16xi32>
    %gather3A = tpu.vector_load_idx %arg8[%broadcast_in_dim3A_19] : memref<1280xf32, #tpu.memory_space<vmem>>[vector<16xi32>], vector<16xf32>,
    %reduce_max3A_20 = arith.constant true
    %reduce_max3A_21 = vector.broadcast %reduce_max3A_20 : i1 to vector<16xi1>
    %reduce_max3A_22 = tpu.scan <max>, %gather3A masked %reduce_max3A_21 : vector<16xf32>, vector<16xi1> -> vector<16xf32>
    %reduce_max3A_23 = vector.extract %reduce_max3A_22[15] : f32 from vector<16xf32>
    %gather3A_24 = tpu.vector_load_idx %arg9[%broadcast_in_dim3A_19] : memref<1280xf32, #tpu.memory_space<vmem>>[vector<16xi32>], vector<16xf32>,
    %reduce_max3A_25 = arith.constant true
    %reduce_max3A_26 = vector.broadcast %reduce_max3A_25 : i1 to vector<16xi1>
    %reduce_max3A_27 = tpu.scan <max>, %gather3A_24 masked %reduce_max3A_26 : vector<16xf32>, vector<16xi1> -> vector<16xf32>
    %reduce_max3A_28 = vector.extract %reduce_max3A_27[15] : f32 from vector<16xf32>
    %gather3A_29 = tpu.vector_load_idx %arg10[%broadcast_in_dim3A_19] : memref<1280xf32, #tpu.memory_space<vmem>>[vector<16xi32>], vector<16xf32>,
    %reduce_max3A_30 = arith.constant true
    %reduce_max3A_31 = vector.broadcast %reduce_max3A_30 : i1 to vector<16xi1>
    %reduce_max3A_32 = tpu.scan <max>, %gather3A_29 masked %reduce_max3A_31 : vector<16xf32>, vector<16xi1> -> vector<16xf32>
    %reduce_max3A_33 = vector.extract %reduce_max3A_32[15] : f32 from vector<16xf32>
    %gather3A_34 = tpu.vector_load_idx %arg11[%broadcast_in_dim3A_19] : memref<1280xf32, #tpu.memory_space<vmem>>[vector<16xi32>], vector<16xf32>,
    %reduce_max3A_35 = arith.constant true
    %reduce_max3A_36 = vector.broadcast %reduce_max3A_35 : i1 to vector<16xi1>
    %reduce_max3A_37 = tpu.scan <max>, %gather3A_34 masked %reduce_max3A_36 : vector<16xf32>, vector<16xi1> -> vector<16xf32>
    %reduce_max3A_38 = vector.extract %reduce_max3A_37[15] : f32 from vector<16xf32>
    %scan3A = arith.constant 0 : i32
    %scan3A_39 = arith.constant 100 : i32
    %scan3A_40 = arith.addi %scan3A, %scan3A_39 : i32
    %scan3A_41 = arith.constant 1 : i32
    %scan3A_42:6 = scf.for %scan3A_49 = %scan3A to %scan3A_40 step %scan3A_41 iter_args(%scan3A_50 = %reduce_max3A_9, %scan3A_51 = %reduce_min3A_18, %scan3A_52 = %reduce_max3A_23, %scan3A_53 = %reduce_max3A_28, %scan3A_54 = %reduce_max3A_33, %scan3A_55 = %reduce_max3A_38) -> (f32, i32, f32, f32, f32, f32)  : i32 {
      %convert_element_type3A_56 = arith.sitofp %scan3A_49 : i32 to f32
      %eq3A_57 = arith.constant 0 : i32
      %eq3A_58 = vector.broadcast %eq3A_57 : i32 to vector<16xi32>
      %eq3A_59 = arith.cmpi eq, %iota3A, %eq3A_58 : vector<16xi32>
      %eq3A_60 = arith.constant 1 : i32
      %eq3A_61 = vector.broadcast %eq3A_60 : i32 to vector<16xi32>
      %eq3A_62 = arith.cmpi eq, %iota3A, %eq3A_61 : vector<16xi32>
      %convert_element_type3A_63 = arith.sitofp %scan3A_51 : i32 to f32
      %eq3A_64 = arith.constant 2 : i32
      %eq3A_65 = vector.broadcast %eq3A_64 : i32 to vector<16xi32>
      %eq3A_66 = arith.cmpi eq, %iota3A, %eq3A_65 : vector<16xi32>
      %eq3A_67 = arith.constant 3 : i32
      %eq3A_68 = vector.broadcast %eq3A_67 : i32 to vector<16xi32>
      %eq3A_69 = arith.cmpi eq, %iota3A, %eq3A_68 : vector<16xi32>
      %eq3A_70 = arith.constant 4 : i32
      %eq3A_71 = vector.broadcast %eq3A_70 : i32 to vector<16xi32>
      %eq3A_72 = arith.cmpi eq, %iota3A, %eq3A_71 : vector<16xi32>
      %eq3A_73 = arith.constant 5 : i32
      %eq3A_74 = vector.broadcast %eq3A_73 : i32 to vector<16xi32>
      %eq3A_75 = arith.cmpi eq, %iota3A, %eq3A_74 : vector<16xi32>
      %broadcast_in_dim3A_76 = vector.broadcast %scan3A_55 : f32 to vector<16xf32>
      %broadcast_in_dim3A_77 = vector.broadcast %convert_element_type3A_56 : f32 to vector<16xf32>
      %select_n3A_78 = arith.select %eq3A_75, %broadcast_in_dim3A_76, %broadcast_in_dim3A_77 : vector<16xi1>, vector<16xf32>
      %broadcast_in_dim3A_79 = vector.broadcast %scan3A_54 : f32 to vector<16xf32>
      %select_n3A_80 = arith.select %eq3A_72, %broadcast_in_dim3A_79, %select_n3A_78 : vector<16xi1>, vector<16xf32>
      %broadcast_in_dim3A_81 = vector.broadcast %scan3A_53 : f32 to vector<16xf32>
      %select_n3A_82 = arith.select %eq3A_69, %broadcast_in_dim3A_81, %select_n3A_80 : vector<16xi1>, vector<16xf32>
      %broadcast_in_dim3A_83 = vector.broadcast %scan3A_52 : f32 to vector<16xf32>
      %select_n3A_84 = arith.select %eq3A_66, %broadcast_in_dim3A_83, %select_n3A_82 : vector<16xi1>, vector<16xf32>
      %broadcast_in_dim3A_85 = vector.broadcast %convert_element_type3A_63 : f32 to vector<16xf32>
      %select_n3A_86 = arith.select %eq3A_62, %broadcast_in_dim3A_85, %select_n3A_84 : vector<16xi1>, vector<16xf32>
      %broadcast_in_dim3A_87 = vector.broadcast %scan3A_50 : f32 to vector<16xf32>
      %select_n3A_88 = arith.select %eq3A_59, %broadcast_in_dim3A_87, %select_n3A_86 : vector<16xi1>, vector<16xf32>
      %swap3A = arith.constant 0 : index
      %swap3A_89 = tpu.vector_load %arg13[%swap3A] {strides = array<i32>} : memref<16xf32, #tpu.memory_space<vmem>>, vector<16xf32>,
      tpu.vector_store %arg13[%swap3A], %select_n3A_88 {strides = array<i32>} : memref<16xf32, #tpu.memory_space<vmem>>, vector<16xf32>,
      %rem3A = arith.constant 2 : i32
      %rem3A_90 = arith.remsi %scan3A_49, %rem3A : i32
      %mul3A_91 = arith.constant 256 : i32
      %mul3A_92 = arith.muli %rem3A_90, %mul3A_91 : i32
      %mul3A_93 = arith.constant 16 : i32
      %mul3A_94 = arith.muli %arg1, %mul3A_93 : i32
      %add3A = arith.addi %mul3A_92, %mul3A_94 : i32
      %while3A = arith.constant 0 : i32
      %while3A_95 = arith.constant false
      %while3A_96:2 = scf.while (%while3A_266 = %while3A, %while3A_267 = %while3A_95) : (i32, i1) -> (i32, i1) {
        %lt3A = arith.constant 16 : i32
        %lt3A_268 = arith.cmpi slt, %while3A_266, %lt3A : i32
        %not3A = arith.constant true
        %not3A_269 = arith.xori %while3A_267, %not3A : i1
        %and3A_270 = arith.andi %lt3A_268, %not3A_269 : i1
        scf.condition(%and3A_270) %while3A_266, %while3A_267 : i32, i1
      } do {
      ^bb0(%while3A_266: i32, %while3A_267: i1):
        "tpu.region"() ({
          %run_scoped3A = tpu.sem_alloc : memref<!tpu.dma_semaphore, #tpu.memory_space<semaphore_mem>>
          %dma_start3A = tpu.memref_slice %arg17[%add3A] : memref<512xf32, #tpu.memory_space<vmem_shared>> -> memref<16xf32, #tpu.memory_space<vmem_shared>>
          %dma_start3A_282 = tpu.memref_slice %arg17[%add3A] : memref<512xf32, #tpu.memory_space<vmem_shared>> -> memref<16xf32, #tpu.memory_space<vmem_shared>>
          tpu.enqueue_dma source(%arg13 : memref<16xf32, #tpu.memory_space<vmem>>) target(%dma_start3A_282 : memref<16xf32, #tpu.memory_space<vmem_shared>>) target_semaphore(%run_scoped3A : memref<!tpu.dma_semaphore, #tpu.memory_space<semaphore_mem>>)
          %dma_wait3A = tpu.memref_slice %arg17[%add3A] : memref<512xf32, #tpu.memory_space<vmem_shared>> -> memref<16xf32, #tpu.memory_space<vmem_shared>>
          %dma_wait3A_283 = tpu.memref_slice %arg17[%add3A] : memref<512xf32, #tpu.memory_space<vmem_shared>> -> memref<16xf32, #tpu.memory_space<vmem_shared>>
          tpu.wait_dma2 semaphore(%run_scoped3A : memref<!tpu.dma_semaphore, #tpu.memory_space<semaphore_mem>>) src(%arg13 : memref<16xf32, #tpu.memory_space<vmem>>) dst(%dma_wait3A_283 : memref<16xf32, #tpu.memory_space<vmem_shared>>)
          tpu.yield
        }) : () -> ()
        "tpu.region"() ({
          %run_scoped3A = tpu.sem_alloc : memref<!tpu.dma_semaphore, #tpu.memory_space<semaphore_mem>>
          %dma_start3A = tpu.memref_slice %arg17[%add3A] : memref<512xf32, #tpu.memory_space<vmem_shared>> -> memref<16xf32, #tpu.memory_space<vmem_shared>>
          %dma_start3A_282 = tpu.memref_slice %arg17[%add3A] : memref<512xf32, #tpu.memory_space<vmem_shared>> -> memref<16xf32, #tpu.memory_space<vmem_shared>>
          tpu.enqueue_dma source(%dma_start3A_282 : memref<16xf32, #tpu.memory_space<vmem_shared>>) target(%arg14 : memref<16xf32, #tpu.memory_space<vmem>>) target_semaphore(%run_scoped3A : memref<!tpu.dma_semaphore, #tpu.memory_space<semaphore_mem>>)
          %dma_wait3A = tpu.memref_slice %arg17[%add3A] : memref<512xf32, #tpu.memory_space<vmem_shared>> -> memref<16xf32, #tpu.memory_space<vmem_shared>>
          %dma_wait3A_283 = tpu.memref_slice %arg17[%add3A] : memref<512xf32, #tpu.memory_space<vmem_shared>> -> memref<16xf32, #tpu.memory_space<vmem_shared>>
          tpu.wait_dma2 semaphore(%run_scoped3A : memref<!tpu.dma_semaphore, #tpu.memory_space<semaphore_mem>>) src(%dma_wait3A_283 : memref<16xf32, #tpu.memory_space<vmem_shared>>) dst(%arg14 : memref<16xf32, #tpu.memory_space<vmem>>)
          tpu.yield
        }) : () -> ()
        %get3A = arith.constant 0 : index
        %get3A_268 = tpu.vector_load %arg14[%get3A] {strides = array<i32>} : memref<16xf32, #tpu.memory_space<vmem>>, vector<16xf32>,
        %eq3A_269 = arith.cmpf oeq, %get3A_268, %select_n3A_88 : vector<16xf32>
        %reduce_and3A = arith.constant 1.000000e+00 : f32
        %reduce_and3A_270 = arith.constant 0.000000e+00 : f32
        %reduce_and3A_271 = vector.broadcast %reduce_and3A : f32 to vector<16xf32>
        %reduce_and3A_272 = vector.broadcast %reduce_and3A_270 : f32 to vector<16xf32>
        %reduce_and3A_273 = arith.select %eq3A_269, %reduce_and3A_271, %reduce_and3A_272 : vector<16xi1>, vector<16xf32>
        %reduce_and3A_274 = arith.constant true
        %reduce_and3A_275 = vector.broadcast %reduce_and3A_274 : i1 to vector<16xi1>
        %reduce_and3A_276 = tpu.scan <min>, %reduce_and3A_273 masked %reduce_and3A_275 : vector<16xf32>, vector<16xi1> -> vector<16xf32>
        %reduce_and3A_277 = vector.extract %reduce_and3A_276[15] : f32 from vector<16xf32>
        %reduce_and3A_278 = arith.constant 0.000000e+00 : f32
        %reduce_and3A_279 = arith.cmpf ogt, %reduce_and3A_277, %reduce_and3A_278 : f32
        %add3A_280 = arith.constant 1 : i32
        %add3A_281 = arith.addi %while3A_266, %add3A_280 : i32
        scf.yield %add3A_281, %reduce_and3A_279 : i32, i1
      }
      %barrier3A = arith.constant 0 : index
      tpu.barrier barrier_id(%barrier3A)
      %mul3A_97 = arith.constant 16 : i32
      %mul3A_98 = vector.broadcast %mul3A_97 : i32 to vector<16xi32>
      %mul3A_99 = arith.muli %iota3A, %mul3A_98 : vector<16xi32>
      %while3A_100 = arith.constant 0 : i32
      %while3A_101 = arith.constant false
      %while3A_102:2 = scf.while (%while3A_266 = %while3A_100, %while3A_267 = %while3A_101) : (i32, i1) -> (i32, i1) {
        %lt3A = arith.constant 64 : i32
        %lt3A_268 = arith.cmpi slt, %while3A_266, %lt3A : i32
        %not3A = arith.constant true
        %not3A_269 = arith.xori %while3A_267, %not3A : i1
        %and3A_270 = arith.andi %lt3A_268, %not3A_269 : i1
        scf.condition(%and3A_270) %while3A_266, %while3A_267 : i32, i1
      } do {
      ^bb0(%while3A_266: i32, %while3A_267: i1):
        "tpu.region"() ({
          %run_scoped3A = tpu.sem_alloc : memref<!tpu.dma_semaphore, #tpu.memory_space<semaphore_mem>>
          %dma_start3A = tpu.memref_slice %arg17[%mul3A_92] : memref<512xf32, #tpu.memory_space<vmem_shared>> -> memref<256xf32, #tpu.memory_space<vmem_shared>>
          %dma_start3A_279 = tpu.memref_slice %arg17[%mul3A_92] : memref<512xf32, #tpu.memory_space<vmem_shared>> -> memref<256xf32, #tpu.memory_space<vmem_shared>>
          tpu.enqueue_dma source(%dma_start3A_279 : memref<256xf32, #tpu.memory_space<vmem_shared>>) target(%arg15 : memref<256xf32, #tpu.memory_space<vmem>>) target_semaphore(%run_scoped3A : memref<!tpu.dma_semaphore, #tpu.memory_space<semaphore_mem>>)
          %dma_wait3A = tpu.memref_slice %arg17[%mul3A_92] : memref<512xf32, #tpu.memory_space<vmem_shared>> -> memref<256xf32, #tpu.memory_space<vmem_shared>>
          %dma_wait3A_280 = tpu.memref_slice %arg17[%mul3A_92] : memref<512xf32, #tpu.memory_space<vmem_shared>> -> memref<256xf32, #tpu.memory_space<vmem_shared>>
          tpu.wait_dma2 semaphore(%run_scoped3A : memref<!tpu.dma_semaphore, #tpu.memory_space<semaphore_mem>>) src(%dma_wait3A_280 : memref<256xf32, #tpu.memory_space<vmem_shared>>) dst(%arg15 : memref<256xf32, #tpu.memory_space<vmem>>)
          tpu.yield
        }) : () -> ()
        %add3A_268 = arith.constant 7 : i32
        %add3A_269 = vector.broadcast %add3A_268 : i32 to vector<16xi32>
        %add3A_270 = arith.addi %mul3A_99, %add3A_269 : vector<16xi32>
        %gather3A_271 = tpu.vector_load_idx %arg15[%add3A_270] : memref<256xf32, #tpu.memory_space<vmem>>[vector<16xi32>], vector<16xf32>,
        %add3A_272 = arith.constant 1 : i32
        %add3A_273 = arith.addi %while3A_266, %add3A_272 : i32
        %reduce_min3A_274 = arith.constant true
        %reduce_min3A_275 = vector.broadcast %reduce_min3A_274 : i1 to vector<16xi1>
        %reduce_min3A_276 = tpu.scan <min>, %gather3A_271 masked %reduce_min3A_275 : vector<16xf32>, vector<16xi1> -> vector<16xf32>
        %reduce_min3A_277 = vector.extract %reduce_min3A_276[15] : f32 from vector<16xf32>
        %eq3A_278 = arith.cmpf oeq, %reduce_min3A_277, %convert_element_type3A_56 : f32
        scf.yield %add3A_273, %eq3A_278 : i32, i1
      }
      %gather3A_103 = tpu.vector_load_idx %arg15[%mul3A_99] : memref<256xf32, #tpu.memory_space<vmem>>[vector<16xi32>], vector<16xf32>,
      %add3A_104 = arith.constant 1 : i32
      %add3A_105 = vector.broadcast %add3A_104 : i32 to vector<16xi32>
      %add3A_106 = arith.addi %mul3A_99, %add3A_105 : vector<16xi32>
      %gather3A_107 = tpu.vector_load_idx %arg15[%add3A_106] : memref<256xf32, #tpu.memory_space<vmem>>[vector<16xi32>], vector<16xf32>,
      %add3A_108 = arith.constant 2 : i32
      %add3A_109 = vector.broadcast %add3A_108 : i32 to vector<16xi32>
      %add3A_110 = arith.addi %mul3A_99, %add3A_109 : vector<16xi32>
      %gather3A_111 = tpu.vector_load_idx %arg15[%add3A_110] : memref<256xf32, #tpu.memory_space<vmem>>[vector<16xi32>], vector<16xf32>,
      %add3A_112 = arith.constant 3 : i32
      %add3A_113 = vector.broadcast %add3A_112 : i32 to vector<16xi32>
      %add3A_114 = arith.addi %mul3A_99, %add3A_113 : vector<16xi32>
      %gather3A_115 = tpu.vector_load_idx %arg15[%add3A_114] : memref<256xf32, #tpu.memory_space<vmem>>[vector<16xi32>], vector<16xf32>,
      %add3A_116 = arith.constant 4 : i32
      %add3A_117 = vector.broadcast %add3A_116 : i32 to vector<16xi32>
      %add3A_118 = arith.addi %mul3A_99, %add3A_117 : vector<16xi32>
      %gather3A_119 = tpu.vector_load_idx %arg15[%add3A_118] : memref<256xf32, #tpu.memory_space<vmem>>[vector<16xi32>], vector<16xf32>,
      %add3A_120 = arith.constant 5 : i32
      %add3A_121 = vector.broadcast %add3A_120 : i32 to vector<16xi32>
      %add3A_122 = arith.addi %mul3A_99, %add3A_121 : vector<16xi32>
      %gather3A_123 = tpu.vector_load_idx %arg15[%add3A_122] : memref<256xf32, #tpu.memory_space<vmem>>[vector<16xi32>], vector<16xf32>,
      %reduce_max3A_124 = arith.constant true
      %reduce_max3A_125 = vector.broadcast %reduce_max3A_124 : i1 to vector<16xi1>
      %reduce_max3A_126 = tpu.scan <max>, %gather3A_103 masked %reduce_max3A_125 : vector<16xf32>, vector<16xi1> -> vector<16xf32>
      %reduce_max3A_127 = vector.extract %reduce_max3A_126[15] : f32 from vector<16xf32>
      %eq3A_128 = vector.broadcast %reduce_max3A_127 : f32 to vector<16xf32>
      %eq3A_129 = arith.cmpf oeq, %gather3A_103, %eq3A_128 : vector<16xf32>
      %jit3A_130 = arith.constant 3.400000e+38 : f32
      %broadcast_in_dim3A_131 = vector.broadcast %jit3A_130 : f32 to vector<16xf32>
      %select_n3A_132 = arith.select %eq3A_129, %gather3A_107, %broadcast_in_dim3A_131 : vector<16xi1>, vector<16xf32>
      %reduce_min3A_133 = arith.constant true
      %reduce_min3A_134 = vector.broadcast %reduce_min3A_133 : i1 to vector<16xi1>
      %reduce_min3A_135 = tpu.scan <min>, %select_n3A_132 masked %reduce_min3A_134 : vector<16xf32>, vector<16xi1> -> vector<16xf32>
      %reduce_min3A_136 = vector.extract %reduce_min3A_135[15] : f32 from vector<16xf32>
      %eq3A_137 = vector.broadcast %reduce_min3A_136 : f32 to vector<16xf32>
      %eq3A_138 = arith.cmpf oeq, %gather3A_107, %eq3A_137 : vector<16xf32>
      %jit3A_139 = arith.constant 0.000000e+00 : f32
      %broadcast_in_dim3A_140 = vector.broadcast %jit3A_139 : f32 to vector<16xf32>
      %select_n3A_141 = arith.select %eq3A_138, %gather3A_111, %broadcast_in_dim3A_140 : vector<16xi1>, vector<16xf32>
      %reduce_sum3A = arith.constant true
      %reduce_sum3A_142 = vector.broadcast %reduce_sum3A : i1 to vector<16xi1>
      %reduce_sum3A_143 = tpu.scan <sum>, %select_n3A_141 masked %reduce_sum3A_142 : vector<16xf32>, vector<16xi1> -> vector<16xf32>
      %reduce_sum3A_144 = vector.extract %reduce_sum3A_143[15] : f32 from vector<16xf32>
      %jit3A_145 = arith.constant 0.000000e+00 : f32
      %broadcast_in_dim3A_146 = vector.broadcast %jit3A_145 : f32 to vector<16xf32>
      %select_n3A_147 = arith.select %eq3A_138, %gather3A_115, %broadcast_in_dim3A_146 : vector<16xi1>, vector<16xf32>
      %reduce_sum3A_148 = arith.constant true
      %reduce_sum3A_149 = vector.broadcast %reduce_sum3A_148 : i1 to vector<16xi1>
      %reduce_sum3A_150 = tpu.scan <sum>, %select_n3A_147 masked %reduce_sum3A_149 : vector<16xf32>, vector<16xi1> -> vector<16xf32>
      %reduce_sum3A_151 = vector.extract %reduce_sum3A_150[15] : f32 from vector<16xf32>
      %jit3A_152 = arith.constant 0.000000e+00 : f32
      %broadcast_in_dim3A_153 = vector.broadcast %jit3A_152 : f32 to vector<16xf32>
      %select_n3A_154 = arith.select %eq3A_138, %gather3A_119, %broadcast_in_dim3A_153 : vector<16xi1>, vector<16xf32>
      %reduce_sum3A_155 = arith.constant true
      %reduce_sum3A_156 = vector.broadcast %reduce_sum3A_155 : i1 to vector<16xi1>
      %reduce_sum3A_157 = tpu.scan <sum>, %select_n3A_154 masked %reduce_sum3A_156 : vector<16xf32>, vector<16xi1> -> vector<16xf32>
      %reduce_sum3A_158 = vector.extract %reduce_sum3A_157[15] : f32 from vector<16xf32>
      %jit3A_159 = arith.constant 0.000000e+00 : f32
      %broadcast_in_dim3A_160 = vector.broadcast %jit3A_159 : f32 to vector<16xf32>
      %select_n3A_161 = arith.select %eq3A_138, %gather3A_123, %broadcast_in_dim3A_160 : vector<16xi1>, vector<16xf32>
      %reduce_sum3A_162 = arith.constant true
      %reduce_sum3A_163 = vector.broadcast %reduce_sum3A_162 : i1 to vector<16xi1>
      %reduce_sum3A_164 = tpu.scan <sum>, %select_n3A_161 masked %reduce_sum3A_163 : vector<16xf32>, vector<16xi1> -> vector<16xf32>
      %reduce_sum3A_165 = vector.extract %reduce_sum3A_164[15] : f32 from vector<16xf32>
      %gt3A = arith.constant -5.000000e+08 : f32
      %gt3A_166 = arith.cmpf ogt, %reduce_max3A_127, %gt3A : f32
      %jit3A_167 = arith.constant 1.000000e+00 : f32
      %jit3A_168 = arith.constant 0.000000e+00 : f32
      %select_n3A_169 = arith.select %gt3A_166, %jit3A_167, %jit3A_168 : f32
      %mul3A_170 = arith.mulf %reduce_sum3A_144, %select_n3A_169 : f32
      %broadcast_in_dim3A_171 = vector.broadcast %mul3A_170 : f32 to vector<16xf32>
      %mul3A_172 = arith.constant 16 : i32
      %mul3A_173 = arith.muli %scan3A_49, %mul3A_172 : i32
      %swap3A_174 = arith.index_cast %mul3A_173 : i32 to index
      %swap3A_175 = tpu.vector_load %arg16[%swap3A_174] {strides = array<i32>} : memref<8000xf32, #tpu.memory_space<vmem>>, vector<16xf32>,
      tpu.vector_store %arg16[%swap3A_174], %broadcast_in_dim3A_171 {strides = array<i32>} : memref<8000xf32, #tpu.memory_space<vmem>>, vector<16xf32>,
      %mul3A_176 = arith.mulf %reduce_sum3A_151, %select_n3A_169 : f32
      %broadcast_in_dim3A_177 = vector.broadcast %mul3A_176 : f32 to vector<16xf32>
      %add3A_178 = arith.constant 100 : i32
      %add3A_179 = arith.addi %scan3A_49, %add3A_178 : i32
      %mul3A_180 = arith.constant 16 : i32
      %mul3A_181 = arith.muli %add3A_179, %mul3A_180 : i32
      %swap3A_182 = arith.index_cast %mul3A_181 : i32 to index
      %swap3A_183 = tpu.vector_load %arg16[%swap3A_182] {strides = array<i32>} : memref<8000xf32, #tpu.memory_space<vmem>>, vector<16xf32>,
      tpu.vector_store %arg16[%swap3A_182], %broadcast_in_dim3A_177 {strides = array<i32>} : memref<8000xf32, #tpu.memory_space<vmem>>, vector<16xf32>,
      %mul3A_184 = arith.mulf %reduce_sum3A_158, %select_n3A_169 : f32
      %broadcast_in_dim3A_185 = vector.broadcast %mul3A_184 : f32 to vector<16xf32>
      %add3A_186 = arith.constant 200 : i32
      %add3A_187 = arith.addi %scan3A_49, %add3A_186 : i32
      %mul3A_188 = arith.constant 16 : i32
      %mul3A_189 = arith.muli %add3A_187, %mul3A_188 : i32
      %swap3A_190 = arith.index_cast %mul3A_189 : i32 to index
      %swap3A_191 = tpu.vector_load %arg16[%swap3A_190] {strides = array<i32>} : memref<8000xf32, #tpu.memory_space<vmem>>, vector<16xf32>,
      tpu.vector_store %arg16[%swap3A_190], %broadcast_in_dim3A_185 {strides = array<i32>} : memref<8000xf32, #tpu.memory_space<vmem>>, vector<16xf32>,
      %mul3A_192 = arith.mulf %reduce_sum3A_165, %select_n3A_169 : f32
      %broadcast_in_dim3A_193 = vector.broadcast %mul3A_192 : f32 to vector<16xf32>
      %add3A_194 = arith.constant 300 : i32
      %add3A_195 = arith.addi %scan3A_49, %add3A_194 : i32
      %mul3A_196 = arith.constant 16 : i32
      %mul3A_197 = arith.muli %add3A_195, %mul3A_196 : i32
      %swap3A_198 = arith.index_cast %mul3A_197 : i32 to index
      %swap3A_199 = tpu.vector_load %arg16[%swap3A_198] {strides = array<i32>} : memref<8000xf32, #tpu.memory_space<vmem>>, vector<16xf32>,
      tpu.vector_store %arg16[%swap3A_198], %broadcast_in_dim3A_193 {strides = array<i32>} : memref<8000xf32, #tpu.memory_space<vmem>>, vector<16xf32>,
      %mul3A_200 = arith.mulf %reduce_max3A_127, %select_n3A_169 : f32
      %broadcast_in_dim3A_201 = vector.broadcast %mul3A_200 : f32 to vector<16xf32>
      %add3A_202 = arith.constant 400 : i32
      %add3A_203 = arith.addi %scan3A_49, %add3A_202 : i32
      %mul3A_204 = arith.constant 16 : i32
      %mul3A_205 = arith.muli %add3A_203, %mul3A_204 : i32
      %swap3A_206 = arith.index_cast %mul3A_205 : i32 to index
      %swap3A_207 = tpu.vector_load %arg16[%swap3A_206] {strides = array<i32>} : memref<8000xf32, #tpu.memory_space<vmem>>, vector<16xf32>,
      tpu.vector_store %arg16[%swap3A_206], %broadcast_in_dim3A_201 {strides = array<i32>} : memref<8000xf32, #tpu.memory_space<vmem>>, vector<16xf32>,
      %jit3A_208 = arith.constant -1.000000e+06 : f32
      %select_n3A_209 = arith.select %gt3A_166, %reduce_sum3A_144, %jit3A_208 : f32
      %jit3A_210 = arith.constant -1.000000e+06 : f32
      %select_n3A_211 = arith.select %gt3A_166, %reduce_sum3A_151, %jit3A_210 : f32
      %jit3A_212 = arith.constant -1.000000e+06 : f32
      %select_n3A_213 = arith.select %gt3A_166, %reduce_sum3A_158, %jit3A_212 : f32
      %jit3A_214 = arith.constant -1.000000e+06 : f32
      %select_n3A_215 = arith.select %gt3A_166, %reduce_sum3A_165, %jit3A_214 : f32
      %sub3A_216 = arith.subf %select_n3A_213, %select_n3A_209 : f32
      %sub3A_217 = arith.subf %select_n3A_215, %select_n3A_211 : f32
      %mul3A_218 = arith.mulf %sub3A_216, %sub3A_217 : f32
      %broadcast_in_dim3A_219 = arith.constant -3.400000e+38 : f32
      %broadcast_in_dim3A_220 = vector.broadcast %broadcast_in_dim3A_219 : f32 to vector<16xf32>
      %broadcast_in_dim3A_221 = arith.constant 0 : i32
      %broadcast_in_dim3A_222 = vector.broadcast %broadcast_in_dim3A_221 : i32 to vector<16xi32>
      %parallel_loop3A_223 = arith.constant 0 : i32
      %parallel_loop3A_224 = arith.constant 80 : i32
      %parallel_loop3A_225 = arith.constant 1 : i32
      %parallel_loop3A_226:2 = scf.for %parallel_loop3A_266 = %parallel_loop3A_223 to %parallel_loop3A_224 step %parallel_loop3A_225 iter_args(%parallel_loop3A_267 = %broadcast_in_dim3A_220, %parallel_loop3A_268 = %broadcast_in_dim3A_222) -> (vector<16xf32>, vector<16xi32>)  : i32 {
        %parallel_loop3A_269 = arith.constant 16 : i32
        %parallel_loop3A_270 = arith.muli %parallel_loop3A_266, %parallel_loop3A_269 : i32
        %parallel_loop3A_271 = arith.index_cast %parallel_loop3A_270 : i32 to index
        %parallel_loop3A_272 = tpu.vector_load %arg12[%parallel_loop3A_271] {strides = array<i32>} : memref<1280xf32, #tpu.memory_space<vmem>>, vector<16xf32>,
        %parallel_loop3A_273 = arith.index_cast %parallel_loop3A_270 : i32 to index
        %parallel_loop3A_274 = tpu.vector_load %arg8[%parallel_loop3A_273] {strides = array<i32>} : memref<1280xf32, #tpu.memory_space<vmem>>, vector<16xf32>,
        %parallel_loop3A_275 = arith.index_cast %parallel_loop3A_270 : i32 to index
        %parallel_loop3A_276 = tpu.vector_load %arg9[%parallel_loop3A_275] {strides = array<i32>} : memref<1280xf32, #tpu.memory_space<vmem>>, vector<16xf32>,
        %parallel_loop3A_277 = arith.index_cast %parallel_loop3A_270 : i32 to index
        %parallel_loop3A_278 = tpu.vector_load %arg10[%parallel_loop3A_277] {strides = array<i32>} : memref<1280xf32, #tpu.memory_space<vmem>>, vector<16xf32>,
        %parallel_loop3A_279 = arith.index_cast %parallel_loop3A_270 : i32 to index
        %parallel_loop3A_280 = tpu.vector_load %arg11[%parallel_loop3A_279] {strides = array<i32>} : memref<1280xf32, #tpu.memory_space<vmem>>, vector<16xf32>,
        %parallel_loop3A_281 = vector.broadcast %select_n3A_209 : f32 to vector<16xf32>
        %parallel_loop3A_282 = arith.maximumf %parallel_loop3A_281, %parallel_loop3A_274 : vector<16xf32>
        %parallel_loop3A_283 = vector.broadcast %select_n3A_211 : f32 to vector<16xf32>
        %parallel_loop3A_284 = arith.maximumf %parallel_loop3A_283, %parallel_loop3A_276 : vector<16xf32>
        %parallel_loop3A_285 = vector.broadcast %select_n3A_213 : f32 to vector<16xf32>
        %parallel_loop3A_286 = arith.minimumf %parallel_loop3A_285, %parallel_loop3A_278 : vector<16xf32>
        %parallel_loop3A_287 = vector.broadcast %select_n3A_215 : f32 to vector<16xf32>
        %parallel_loop3A_288 = arith.minimumf %parallel_loop3A_287, %parallel_loop3A_280 : vector<16xf32>
        %parallel_loop3A_289 = arith.subf %parallel_loop3A_286, %parallel_loop3A_282 : vector<16xf32>
        %parallel_loop3A_290 = arith.constant 0.000000e+00 : f32
        %parallel_loop3A_291 = vector.broadcast %parallel_loop3A_290 : f32 to vector<16xf32>
        %parallel_loop3A_292 = arith.maximumf %parallel_loop3A_289, %parallel_loop3A_291 : vector<16xf32>
        %parallel_loop3A_293 = arith.subf %parallel_loop3A_288, %parallel_loop3A_284 : vector<16xf32>
        %parallel_loop3A_294 = arith.constant 0.000000e+00 : f32
        %parallel_loop3A_295 = vector.broadcast %parallel_loop3A_294 : f32 to vector<16xf32>
        %parallel_loop3A_296 = arith.maximumf %parallel_loop3A_293, %parallel_loop3A_295 : vector<16xf32>
        %parallel_loop3A_297 = arith.mulf %parallel_loop3A_292, %parallel_loop3A_296 : vector<16xf32>
        %parallel_loop3A_298 = arith.subf %parallel_loop3A_278, %parallel_loop3A_274 : vector<16xf32>
        %parallel_loop3A_299 = arith.subf %parallel_loop3A_280, %parallel_loop3A_276 : vector<16xf32>
        %parallel_loop3A_300 = arith.mulf %parallel_loop3A_298, %parallel_loop3A_299 : vector<16xf32>
        %parallel_loop3A_301 = vector.broadcast %mul3A_218 : f32 to vector<16xf32>
        %parallel_loop3A_302 = arith.addf %parallel_loop3A_301, %parallel_loop3A_300 : vector<16xf32>
        %parallel_loop3A_303 = arith.subf %parallel_loop3A_302, %parallel_loop3A_297 : vector<16xf32>
        %parallel_loop3A_304 = arith.constant 9.99999993E-9 : f32
        %parallel_loop3A_305 = vector.broadcast %parallel_loop3A_304 : f32 to vector<16xf32>
        %parallel_loop3A_306 = arith.maximumf %parallel_loop3A_303, %parallel_loop3A_305 : vector<16xf32>
        %parallel_loop3A_307 = arith.divf %parallel_loop3A_297, %parallel_loop3A_306 : vector<16xf32>
        %parallel_loop3A_308 = arith.constant 3.000000e-01 : f32
        %parallel_loop3A_309 = vector.broadcast %parallel_loop3A_308 : f32 to vector<16xf32>
        %parallel_loop3A_310 = arith.cmpf ogt, %parallel_loop3A_307, %parallel_loop3A_309 : vector<16xf32>
        %parallel_loop3A_311 = arith.constant -1.000000e+09 : f32
        %parallel_loop3A_312 = vector.broadcast %parallel_loop3A_311 : f32 to vector<16xf32>
        %parallel_loop3A_313 = arith.select %parallel_loop3A_310, %parallel_loop3A_312, %parallel_loop3A_272 : vector<16xi1>, vector<16xf32>
        %parallel_loop3A_314 = arith.index_cast %parallel_loop3A_270 : i32 to index
        %parallel_loop3A_315 = tpu.vector_load %arg12[%parallel_loop3A_314] {strides = array<i32>} : memref<1280xf32, #tpu.memory_space<vmem>>, vector<16xf32>,
        tpu.vector_store %arg12[%parallel_loop3A_314], %parallel_loop3A_313 {strides = array<i32>} : memref<1280xf32, #tpu.memory_space<vmem>>, vector<16xf32>,
        %parallel_loop3A_316 = arith.addi %mul3A_0, %parallel_loop3A_270 : i32
        %parallel_loop3A_317 = vector.broadcast %parallel_loop3A_316 : i32 to vector<16xi32>
        %parallel_loop3A_318 = arith.addi %iota3A, %parallel_loop3A_317 : vector<16xi32>
        %parallel_loop3A_319 = arith.cmpf ogt, %parallel_loop3A_313, %parallel_loop3A_267 : vector<16xf32>
        %parallel_loop3A_320 = arith.select %parallel_loop3A_319, %parallel_loop3A_313, %parallel_loop3A_267 : vector<16xi1>, vector<16xf32>
        %parallel_loop3A_321 = arith.select %parallel_loop3A_319, %parallel_loop3A_318, %parallel_loop3A_268 : vector<16xi1>, vector<16xi32>
        scf.yield %parallel_loop3A_320, %parallel_loop3A_321 : vector<16xf32>, vector<16xi32>
      } {sc.loop_unroll_factor = 1 : i64, sc.parallel_access}
      %reduce_max3A_227 = arith.constant true
      %reduce_max3A_228 = vector.broadcast %reduce_max3A_227 : i1 to vector<16xi1>
      %reduce_max3A_229 = tpu.scan <max>, %parallel_loop3A_226#0 masked %reduce_max3A_228 : vector<16xf32>, vector<16xi1> -> vector<16xf32>
      %reduce_max3A_230 = vector.extract %reduce_max3A_229[15] : f32 from vector<16xf32>
      %eq3A_231 = vector.broadcast %reduce_max3A_230 : f32 to vector<16xf32>
      %eq3A_232 = arith.cmpf oeq, %parallel_loop3A_226#0, %eq3A_231 : vector<16xf32>
      %jit3A_233 = arith.constant 2147483647 : i32
      %broadcast_in_dim3A_234 = vector.broadcast %jit3A_233 : i32 to vector<16xi32>
      %select_n3A_235 = arith.select %eq3A_232, %parallel_loop3A_226#1, %broadcast_in_dim3A_234 : vector<16xi1>, vector<16xi32>
      %reduce_min3A_236 = arith.constant true
      %reduce_min3A_237 = vector.broadcast %reduce_min3A_236 : i1 to vector<16xi1>
      %reduce_min3A_238 = arith.constant -2147483648 : i32
      %reduce_min3A_239 = vector.broadcast %reduce_min3A_238 : i32 to vector<16xi32>
      %reduce_min3A_240 = arith.xori %select_n3A_235, %reduce_min3A_239 : vector<16xi32>
      %reduce_min3A_241 = tpu.scan <min>, %reduce_min3A_240 masked %reduce_min3A_237 : vector<16xi32>, vector<16xi1> -> vector<16xi32>
      %reduce_min3A_242 = arith.xori %reduce_min3A_241, %reduce_min3A_239 : vector<16xi32>
      %reduce_min3A_243 = vector.extract %reduce_min3A_242[15] : i32 from vector<16xi32>
      %sub3A_244 = arith.subi %reduce_min3A_243, %mul3A_0 : i32
      %broadcast_in_dim3A_245 = vector.broadcast %sub3A_244 : i32 to vector<16xi32>
      %gather3A_246 = tpu.vector_load_idx %arg8[%broadcast_in_dim3A_245] : memref<1280xf32, #tpu.memory_space<vmem>>[vector<16xi32>], vector<16xf32>,
      %reduce_max3A_247 = arith.constant true
      %reduce_max3A_248 = vector.broadcast %reduce_max3A_247 : i1 to vector<16xi1>
      %reduce_max3A_249 = tpu.scan <max>, %gather3A_246 masked %reduce_max3A_248 : vector<16xf32>, vector<16xi1> -> vector<16xf32>
      %reduce_max3A_250 = vector.extract %reduce_max3A_249[15] : f32 from vector<16xf32>
      %gather3A_251 = tpu.vector_load_idx %arg9[%broadcast_in_dim3A_245] : memref<1280xf32, #tpu.memory_space<vmem>>[vector<16xi32>], vector<16xf32>,
      %reduce_max3A_252 = arith.constant true
      %reduce_max3A_253 = vector.broadcast %reduce_max3A_252 : i1 to vector<16xi1>
      %reduce_max3A_254 = tpu.scan <max>, %gather3A_251 masked %reduce_max3A_253 : vector<16xf32>, vector<16xi1> -> vector<16xf32>
      %reduce_max3A_255 = vector.extract %reduce_max3A_254[15] : f32 from vector<16xf32>
      %gather3A_256 = tpu.vector_load_idx %arg10[%broadcast_in_dim3A_245] : memref<1280xf32, #tpu.memory_space<vmem>>[vector<16xi32>], vector<16xf32>,
      %reduce_max3A_257 = arith.constant true
      %reduce_max3A_258 = vector.broadcast %reduce_max3A_257 : i1 to vector<16xi1>
      %reduce_max3A_259 = tpu.scan <max>, %gather3A_256 masked %reduce_max3A_258 : vector<16xf32>, vector<16xi1> -> vector<16xf32>
      %reduce_max3A_260 = vector.extract %reduce_max3A_259[15] : f32 from vector<16xf32>
      %gather3A_261 = tpu.vector_load_idx %arg11[%broadcast_in_dim3A_245] : memref<1280xf32, #tpu.memory_space<vmem>>[vector<16xi32>], vector<16xf32>,
      %reduce_max3A_262 = arith.constant true
      %reduce_max3A_263 = vector.broadcast %reduce_max3A_262 : i1 to vector<16xi1>
      %reduce_max3A_264 = tpu.scan <max>, %gather3A_261 masked %reduce_max3A_263 : vector<16xf32>, vector<16xi1> -> vector<16xf32>
      %reduce_max3A_265 = vector.extract %reduce_max3A_264[15] : f32 from vector<16xf32>
      scf.yield %reduce_max3A_230, %reduce_min3A_243, %reduce_max3A_250, %reduce_max3A_255, %reduce_max3A_260, %reduce_max3A_265 : f32, i32, f32, f32, f32, f32
    }
    %scan3A_43 = arith.constant 100 : i32
    %eq3A_44 = arith.constant 0 : i32
    %eq3A_45 = arith.cmpi eq, %arg0, %eq3A_44 : i32
    %eq3A_46 = arith.constant 0 : i32
    %eq3A_47 = arith.cmpi eq, %arg1, %eq3A_46 : i32
    %and3A = arith.andi %eq3A_45, %eq3A_47 : i1
    %convert_element_type3A = arith.extui %and3A : i1 to i32
    %cond3A = arith.constant 0 : i32
    %cond3A_48 = arith.cmpi ne, %convert_element_type3A, %cond3A : i32
    scf.if %cond3A_48 {
      "tpu.region"() ({
        %run_scoped3A = tpu.sem_alloc : memref<!tpu.dma_semaphore, #tpu.memory_space<semaphore_mem>>
        tpu.enqueue_dma source(%arg16 : memref<8000xf32, #tpu.memory_space<vmem>>) target(%arg7 : memref<8000xf32, #tpu.memory_space<hbm>>) target_semaphore(%run_scoped3A : memref<!tpu.dma_semaphore, #tpu.memory_space<semaphore_mem>>)
        tpu.wait_dma2 semaphore(%run_scoped3A : memref<!tpu.dma_semaphore, #tpu.memory_space<semaphore_mem>>) src(%arg16 : memref<8000xf32, #tpu.memory_space<vmem>>) dst(%arg7 : memref<8000xf32, #tpu.memory_space<hbm>>)
        tpu.yield
      }) : () -> ()
    } else {
    }
    return
  }
}

</mosaic_0001>

<sc_bundles>
// kernel: _nms.3.cloned.1.call-start
scs
__scs_entry_jumppad:
0x0: {  	(pc) =	sbr.rel $0x88, $3  }
0x1: {  	(tag) =	ssettag $0x0;
	lr =	simm.s32 $0x1  }
0x2: {  	[smem:$0x3F9C] =	sst lr;
	_ =	strace $0xD0000000  }
0x3: {  	_ = 	snop  }
0x4: {  	_ = 	snop  }
0x5: {  	_ = 	snop  }
0x6: {  	_ = 	snop  }
0x7: {  	_ = 	snop  }
__scs_overlays_trampoline_lowered:
0x8: {  	[smem:$0x3FAB] =	sst s0  }
0x9: {  	[smem:$0x3FAC] =	sst s1  }
0xa: {  	[smem:$0x3FAD] =	sst s2  }
0xb: {  	[smem:$0x3FAE] =	sst s3  }
0xc: {  	[smem:$0x3FAF] =	sst s4  }
0xd: {  	[smem:$0x3FB0] =	sst s5  }
0xe: {  	[smem:$0x3FB1] =	sst s6  }
0xf: {  	[smem:$0x3FB2] =	sst s7  }
0x10: {  	[smem:$0x3FB3] =	sst s8  }
0x11: {  	[smem:$0x3FB4] =	sst s9;
	s0 =	simm.s32 @!p0 $0x0  }
0x12: {  	s1 =	sld [smem:$0x3F9A];
	s0 =	simm.s32 @p0 $0x1  }
0x13: {  	[smem:$0x3FB5] =	sst s0;
	s0 =	simm.s32 @!p1 $0x0  }
0x14: {  	s2 =	sld [smem:$0x3F99];
	s0 =	simm.s32 @p1 $0x1  }
0x15: {  	[smem:$0x3FB6] =	sst s0;
	s0 =	simm.s32 @!p2 $0x0  }
0x16: {  	s3 =	sld [smem:$0x3FDB];
	s0 =	simm.s32 @p2 $0x1  }
0x17: {  	s4 =	simm.s32 $0x1BF5;
	[smem:$0x3FB8] =	sst s0  }
0x18: {  	s0 =	sld [smem:$0x3F9B];
	_ =	swait.ge [sflag:s4], $0x0  }
0x19: {  	s7 =	sld [smem:$0x3F9C]  }
0x1a: {  	s8 =	sadd.s32 $0xFFFFE003, lr  }
0x1b: {  	s9 =	sadd.s32 $0xFFFFFEF7, lr;
	s5 =	simm.s32 $0xFFFFFFFF;
	p2 =	slt.u32 s8, $0xFFFFF086  }
0x1c: {  	p1 =	slt.u32 s9, $0xF7A;
	s5 =	simm.s32 @!p2 $0x0  }
0x1d: {  	s5 =	simm.s32 @p1 $0x1;
	p0 =	seq.s32 s7, s2  }
0x1e: {  	s7 =	smul.u32 @!p0 $0xF7A, s2;
	p2 =	seq.s32 @!p0 s5, $0x0  }
0x1f: {  	s9 =	smul.u32 $0xF7A, s1;
	s8 =	simm.s32 @!p0 $0x1BF5;
	p2 =	por !p2, p0  }
0x20: {  	[sflag:s8] =	ssyncset.s32 @!p0 $0xFFFFF086;
	s6 =	sadd.s32 @!p0 s3, s7;
	s7 =	simm.s32 @!p0 $0x108  }
0x21: {  	s3 =	sadd.s32 s3, s9;
	s6 =	sadd.s32 @!p0 $0x88, s6;
	s7 =	simm.s32 @p2 $0x1082  }
0x22: {  	[simem:s7], [sflag:s8] =	dma.local @!p0 [hbm:s6], $0xF7A  }
0x23: {  	s9 =	sor.u32 $0xD0000000, s2;
	s6 =	simm.s32 $0x108;
	_ =	swait.ge @!p0 [sflag:s8], $0x0  }
0x24: {  	s3 =	sadd.s32 $0x88, s3;
	s6 =	simm.s32 @!p1 $0x1082;
	[sflag:s4] =	ssyncset.s32 $0xFFFFF086  }
0x25: {  	[simem:s6], [sflag:s4] =	dma.local [hbm:s3], $0xF7A  }
0x26: {  	[smem:$0x3F9C] =	sst s1;
	(tag) =	ssettag s2;
	_ =	strace s9  }
0x27: {  	s1 =	sld [smem:$0x3FAC]  }
0x28: {  	s2 =	sld [smem:$0x3FAD]  }
0x29: {  	s4 =	sld [smem:$0x3FAF]  }
0x2a: {  	p0 =	seq.s32 s5, $0x0;
	s5 =	sld [smem:$0x3FB0]  }
0x2b: {  	s6 =	sld [smem:$0x3FB1]  }
0x2c: {  	s7 =	sld [smem:$0x3FB2]  }
0x2d: {  	s3 =	simm.s32 $0x108;
	s8 =	sld [smem:$0x3FB3]  }
0x2e: {  	s3 =	simm.s32 @!p0 $0x1082;
	s9 =	sld [smem:$0x3FB4]  }
0x2f: {  	lr =	sadd.s32 s0, s3;
	s0 =	sld [smem:$0x3FAB]  }
0x30: {  	s3 =	sld [smem:$0x3FAE]  }
0x31: {  	[smem:$0x3FB7] =	sst s10  }
0x32: {  	s10 =	sld [smem:$0x3FB5];
	_ =	sdelay $0x3  }
0x33: {  	p0 =	seq.s32 s10, $0x1;
	s10 =	sld [smem:$0x3FB7];
	_ =	sdelay $0x3  }
0x34: {  	[smem:$0x3FB7] =	sst s10  }
0x35: {  	s10 =	sld [smem:$0x3FB6];
	_ =	sdelay $0x3  }
0x36: {  	p1 =	seq.s32 s10, $0x1;
	s10 =	sld [smem:$0x3FB7];
	_ =	sdelay $0x3  }
0x37: {  	[smem:$0x3FB7] =	sst s10  }
0x38: {  	s10 =	sld [smem:$0x3FB8]  }
0x39: {  	_ = 	snop;
	(pc) =	sbr.ind lr, $3  }
0x3a: {  	_ = 	snop  }
0x3b: {  	_ = 	snop  }
0x3c: {  	p2 =	seq.s32 s10, $0x1;
	s10 =	sld [smem:$0x3FB7]  }
0x3d: {  	_ =	shalt  }
0x3e: {  	_ =	shalt  }
0x3f: {  	_ =	shalt  }
0x40: {  	_ =	shalt  }
0x41: {  	_ =	shalt  }
0x42: {  	_ =	shalt  }
0x43: {  	_ =	shalt  }
0x44: {  	_ =	shalt  }
0x45: {  	_ =	shalt  }
0x46: {  	_ =	shalt  }
0x47: {  	_ =	shalt  }
0x48: {  	_ =	shalt  }
0x49: {  	_ =	shalt  }
0x4a: {  	_ =	shalt  }
0x4b: {  	_ =	shalt  }
0x4c: {  	_ =	shalt  }
0x4d: {  	_ =	shalt  }
0x4e: {  	_ =	shalt  }
0x4f: {  	_ =	shalt  }
0x50: {  	_ =	shalt  }
0x51: {  	_ =	shalt  }
0x52: {  	_ =	shalt  }
0x53: {  	_ =	shalt  }
0x54: {  	_ =	shalt  }
0x55: {  	_ =	shalt  }
0x56: {  	_ =	shalt  }
0x57: {  	_ =	shalt  }
0x58: {  	_ =	shalt  }
0x59: {  	_ =	shalt  }
0x5a: {  	_ =	shalt  }
0x5b: {  	_ =	shalt  }
0x5c: {  	_ =	shalt  }
0x5d: {  	_ =	shalt  }
0x5e: {  	_ =	shalt  }
0x5f: {  	_ =	shalt  }
0x60: {  	_ =	shalt  }
0x61: {  	_ =	shalt  }
0x62: {  	_ =	shalt  }
0x63: {  	_ =	shalt  }
0x64: {  	_ =	shalt  }
0x65: {  	_ =	shalt  }
0x66: {  	_ =	shalt  }
0x67: {  	_ =	shalt  }
0x68: {  	_ =	shalt  }
0x69: {  	_ =	shalt  }
0x6a: {  	_ =	shalt  }
0x6b: {  	_ =	shalt  }
0x6c: {  	_ =	shalt  }
0x6d: {  	_ =	shalt  }
0x6e: {  	_ =	shalt  }
0x6f: {  	_ =	shalt  }
0x70: {  	_ =	shalt  }
0x71: {  	_ =	shalt  }
0x72: {  	_ =	shalt  }
0x73: {  	_ =	shalt  }
0x74: {  	_ =	shalt  }
0x75: {  	_ =	shalt  }
0x76: {  	_ =	shalt  }
0x77: {  	_ =	shalt  }
0x78: {  	_ =	shalt  }
0x79: {  	_ =	shalt  }
0x7a: {  	_ =	shalt  }
0x7b: {  	_ =	shalt  }
0x7c: {  	_ =	shalt  }
0x7d: {  	_ =	shalt  }
0x7e: {  	_ =	shalt  }
0x7f: {  	_ =	shalt  }
0x80: {  	_ =	shalt  }
0x81: {  	_ =	shalt  }
0x82: {  	_ =	shalt  }
0x83: {  	_ =	shalt  }
0x84: {  	_ =	shalt  }
0x85: {  	_ =	shalt  }
0x86: {  	_ =	shalt  }
0x87: {  	_ =	shalt  }
.Lfunc_end0:
.L_simem_size_0:
called_computation_lowered:
.L_overlay_start_0:
0x88: {  	s2 =	sld [smem:$0x3FD9]  }
0x89: {  	s3 =	sld [smem:$0x3FFE];
	_ =	sdelay $0x1  }
0x8a: {  	s1 =	srdreg.scid  }
0x8b: {  	s0 =	sand.u32 $0x1, s1  }
0x8c: {  	s18 =	sshll.u32 s0, $0xA;
	s2 =	sadd.s32 s3, s2  }
0x8d: {  	s2 =	sadd.s32 s2, s18  }
0x8e: {  	[smem:$0x3FC3] =	sst s2  }
0x8f: {  	_ = 	snop  }
0x90: {  	s2 =	sld [smem:$0x3FC9]  }
0x91: {  	s19 =	sld [smem:$0x3FC8]  }
0x92: {  	s4 =	sld [smem:$0x3FC7]  }
0x93: {  	s5 =	sld [smem:$0x3FC6]  }
0x94: {  	s6 =	sld [smem:$0x3FC5]  }
0x95: {  	s7 =	sld [smem:$0x3FD0];
	(tm) =	ssettm $0x1  }
0x96: {  	s8 =	sld [smem:$0x3FFB];
	_ =	sdelay $0x3  }
0x97: {  	_ =	strace s8  }
0x98: {  	s8 =	sld [smem:$0x3FFC];
	_ =	sdelay $0x3  }
0x99: {  	_ =	strace s8  }
0x9a: {  	s8 =	sld [smem:$0x3FFD];
	_ =	sdelay $0x3  }
0x9b: {  	_ =	strace s8  }
0x9c: {  	_ =	strace $0x8FFFFFFF  }
0x9d: {  	s20 =	sld [smem:$0x3FDB];
	_ =	sdelay $0x1  }
0x9e: {  	s9 =	simm.s32 $_scs_section_size  }
0x9f: {  	s10 =	simm.s32 $_size__tile_overlayer_lowered;
	s11 =	simm.s32 $_tile_overlayer_lowered  }
0xa0: {  	s23 =	simm.s32 $0x1BFF;
	s22 =	sshll.u32 s11, $0x1;
	s8 =	sadd.s32 s9, s20  }
0xa1: {  	s12 =	simm.s32 $0x0;
	s21 =	sshll.u32 s10, $0x1;
	s10 =	sadd.s32 s22, s8  }
0xa2: {  	[timem:s12], [sflag:s23] =	dma.local [hbm:s10], s21  }
0xa3: {  	_ =	swait.ge [sflag:s23], s21  }
0xa4: {  	s9 =	ssub.s32 $0x0, s21;
	[sflag:s23] =	ssyncset.done $0x0  }
0xa5: {  	[sflag:s23] =	ssyncadd.s32 s9;
	_ =	sdelay $0x1  }
0xa6: {  	s24 =	simm.s32 $0x1B8B  }
0xa7: {  	_ =	swait.ge [sflag:s24], $0x1  }
0xa8: {  	[sflag:s24] =	ssyncset.done $0x0  }
0xa9: {  	s25 =	simm.s32 $0x1B8E;
	[sflag:s24] =	ssyncadd.s32 $0xFFFFFFFF  }
0xaa: {  	s26 =	simm.s32 $execute0_lowered;
	[smem:$0x3FD2] =	sst s25  }
0xab: {  	s9 =	sshll.u32 s26, $0x1;
	_ =	strace $0x80000046;
	[dreg:$0x1] =	wrdreg $0xFFFFFFFF  }
0xac: {  	s28 =	simm.s32 $_size_execute0_lowered;
	s8 =	sadd.s32 s8, s9;
	[dreg:$0x0] =	wrdreg $0x0  }
0xad: {  	s9 =	sshll.u32 s28, $0x1;
	[dreg:$0x2] =	wrdreg s8  }
0xae: {  	[dreg:$0x3] =	wrdreg s9  }
0xaf: {  	[dreg:$0x4] =	wrdreg $0xC0  }
0xb0: {  	_ =	task [dreg:s12], $0x5FFFF  }
0xb1: {  	[dreg:$0x1] =	wrdreg $0xFFFFFFFF  }
0xb2: {  	[dreg:$0x0] =	wrdreg $0x60  }
0xb3: {  	[dreg:$0x2] =	wrdreg s2  }
0xb4: {  	[dreg:$0x3] =	wrdreg s19  }
0xb5: {  	[dreg:$0x4] =	wrdreg s4  }
0xb6: {  	[dreg:$0x5] =	wrdreg s5  }
0xb7: {  	[dreg:$0x6] =	wrdreg s6  }
0xb8: {  	[dreg:$0x7] =	wrdreg s7  }
0xb9: {  	[dreg:$0x8] =	wrdreg $0x3A800  }
0xba: {  	[dreg:$0x9] =	wrdreg $0x9  }
0xbb: {  	_ =	task.clear_ibuf [dreg:s12], $0xAFFFF;
	_ =	strace $0x90000046  }
0xbc: {  	s29 =	simm.s32 $0x9;
	_ =	strace $0x80000048  }
0xbd: {  	_ =	swait.ge [sflag:s29], $0x1  }
0xbe: {  	[sflag:s29] =	ssyncadd.s32 $0xFFFFFFFF  }
0xbf: {  	_ =	strace $0x90000048  }
0xc0: {  	_ =	sfence  }
0xc1: {  	s30 =	sld [smem:$0x0];
	_ =	sdelay $0x2  }
0xc2: {  	s31 =	sshll.u32 s1, $0xD;
	s1 =	sshrl.u32 s1, $0x2  }
0xc3: {  	s3 =	sand.u32 $0x4000, s31;
	s1 =	sadd.s32 s1, s30  }
0xc4: {  	s0 =	sor.u32 s3, s0;
	s1 =	sshll.u32 s1, $0x11  }
0xc5: {  	s0 =	sor.u32 s1, s0  }
0xc6: {  	s0 =	sadd.s32 $0x8F2B, s0  }
0xc7: {  	[sflag:s0] =	ssyncadd.remote.s32 $0x1  }
0xc8: {  	_ =	sfence.sel $0xFFFF  }
0xc9: {  	[dreg:$0x0] =	wrdreg $0xFFFFFFFF;
	(pc) =	sbr.abs _section_cstart, $3  }
0xca: {  	[dreg:$0x1] =	wrdreg $0xFFFFFFFF  }
0xcb: {  	_ =	task.clear_ibuf [dreg:s12], $0x2FFFF;
	_ =	strace $0x9FFFFFFF  }
0xcc: {  	(tm) =	ssettm $0x7FFFFFFF  }
0xcd: {  	_ =	shalt  }
tec
execute0_lowered:
.L_overlay_start_1:
0x0: {  	(tag) =	ssettag $0x1  }
0x1: {  	s6 =	rddreg [dreg:$0x0]  }
0x2: {  	s7 =	rddreg [dreg:$0x1]  }
0x3: {  	s8 =	rddreg [dreg:$0x2]  }
0x4: {  	s9 =	rddreg [dreg:$0x3]  }
0x5: {  	s10 =	rddreg [dreg:$0x4]  }
0x6: {  	s2 =	rddreg [dreg:$0x5];
	s1 =	srdreg.scid  }
0x7: {  	s0 =	stileid.u32;
	s3 =	rddreg [dreg:$0x6];
	s5 =	simm.s32 $0x0  }
0x8: {  	s15 =	simm.s32 $0xA00;
	s16 =	simm.s32 $0xF00;
	s17 =	simm.s32 $0x1400  }
0x9: {  	s18 =	simm.s32 $0x1900;
	s19 =	simm.s32 $0x1980;
	s20 =	simm.s32 $0x1A00  }
0xa: {  	s12 =	sand.u32 $0x1, s1;
	s4 =	smul.u32 $0x500, s0;
	[smem:$0x7FF] =	sst s5  }
0xb: {  	s31 =	sshll.u32 s0, $0x4;
	s11 =	ssub.s32 $0x2, s12;
	_ =	strace $0x80000047  }
0xc: {  	v0 =	vlaneseq.u32;
	s21 =	sor.u32 s0, s12;
	s13 =	sshrl.u32 s11, $0x1;
	s14 =	sshrl.u32 s4, $0x3  }
0xd: {  	v1 =	vmul.u32 $0x10, v0;
	p0 =	sne.s32 s21, $0x0;
	s21 =	simm.s32 $0x0;
	s13 =	ssub.s32 s11, s13  }
0xe: {  	v2 =	vimm.f32 $0.0e+00;
	s6 =	sadd.s32 s6, s14;
	s7 =	sadd.s32 s7, s14;
	s8 =	sadd.s32 s8, s14  }
0xf: {  	v3 =	vor.u32 $0x7, v1;
	v4 =	vor.u32 $0x1, v1;
	v5 =	vor.u32 $0x2, v1;
	s9 =	sadd.s32 s9, s14;
	s10 =	sadd.s32 s10, s14;
	s11 =	sadd.s32 s31, s3  }
0x10: {  	v6 =	vor.u32 $0x3, v1;
	v7 =	vor.u32 $0x4, v1;
	v8 =	vor.u32 $0x5, v1;
	s14 =	simm.s32 $0x500;
	s12 =	smax.u32 s13, $0x1;
	s13 =	simm.s32 $0x1  }
.LBB2_1:
0x11: {  	[tilespmem:s5], [sflag:$0x1] =	stream.linear.gather [hbm4b:s6+s5], $0x500, $0x38;
	[tilespmem:$0x3AA0] =	vst v63  }
0x12: {  	_ =	swait.ge [sflag:s13], $0x500  }
0x13: {  	[sflag:s13] =	ssyncset.done $0x0  }
0x14: {  	[sflag:s13] =	ssyncadd.s32 $0xFFFFFB00  }
0x15: {  	[tilespmem:s14], [sflag:$0x1] =	stream.linear.gather [hbm4b:s7+s5], $0x500, $0x38;
	[tilespmem:$0x3AA0] =	vst v63  }
0x16: {  	_ =	swait.ge [sflag:s13], $0x500  }
0x17: {  	[sflag:s13] =	ssyncset.done $0x0  }
0x18: {  	[sflag:s13] =	ssyncadd.s32 $0xFFFFFB00  }
0x19: {  	[tilespmem:s15], [sflag:$0x1] =	stream.linear.gather [hbm4b:s8+s5], $0x500, $0x38;
	[tilespmem:$0x3AA0] =	vst v63  }
0x1a: {  	_ =	swait.ge [sflag:s13], $0x500  }
0x1b: {  	[sflag:s13] =	ssyncset.done $0x0  }
0x1c: {  	[sflag:s13] =	ssyncadd.s32 $0xFFFFFB00  }
0x1d: {  	[tilespmem:s16], [sflag:$0x1] =	stream.linear.gather [hbm4b:s9+s5], $0x500, $0x38;
	[tilespmem:$0x3AA0] =	vst v63  }
0x1e: {  	_ =	swait.ge [sflag:s13], $0x500  }
0x1f: {  	[sflag:s13] =	ssyncset.done $0x0  }
0x20: {  	[sflag:s13] =	ssyncadd.s32 $0xFFFFFB00  }
0x21: {  	[tilespmem:s17], [sflag:$0x1] =	stream.linear.gather [hbm4b:s10+s5], $0x500, $0x38;
	[tilespmem:$0x3AA0] =	vst v63  }
0x22: {  	_ =	swait.ge [sflag:s13], $0x500  }
0x23: {  	[sflag:s13] =	ssyncset.done $0x0  }
0x24: {  	s26 =	simm.s32 $0x0;
	[sflag:s13] =	ssyncadd.s32 $0xFFFFFB00  }
0x25: {  	v9 =	vld [tilespmem:s26+$0x0]  }
0x26: {  	v10 =	vld [tilespmem:s26+$0x500]  }
0x27: {  	v11 =	vld [tilespmem:s26+$0xA00]  }
0x28: {  	v12 =	vld [tilespmem:s26+$0xF00];
	_ =	sdelay $0x2  }
0x29: {  	s22 =	simm.s32 $0x10  }
0x2a: {  	v16 =	vld [tilespmem:s22+$0x0];
	v13 =	vmax.f32 v9, $-1.000000000e+06;
	v14 =	vmax.f32 v10, $-1.000000000e+06;
	v15 =	vmin.f32 v11, $-1.000000000e+06  }
0x2b: {  	v17 =	vmin.f32 v12, $-1.000000000e+06;
	v9 =	vsub.f32 v11, v9;
	v11 =	vld [tilespmem:s22+$0x500];
	v10 =	vsub.f32 v12, v10  }
0x2c: {  	v12 =	vld [tilespmem:s22+$0xA00];
	v13 =	vsub.f32 v15, v13;
	v14 =	vsub.f32 v17, v14  }
0x2d: {  	v15 =	vld [tilespmem:s22+$0xF00];
	v9 =	vmul.f32 v10, v9  }
0x2e: {  	v10 =	vmax.f32 v13, $0.0e+00;
	v13 =	vmax.f32 v14, $0.0e+00  }
0x2f: {  	v13 =	vmul.f32 v13, v10;
	v9 =	vadd.f32 $0.0e+00, v9  }
0x30: {  	v10 =	vmax.f32 v16, $-1.000000000e+06  }
0x31: {  	s23 =	simm.s32 $0x20;
	v14 =	vmax.f32 v11, $-1.000000000e+06;
	v17 =	vmin.f32 v12, $-1.000000000e+06;
	v9 =	vsub.f32 v9, v13  }
0x32: {  	v18 =	vld [tilespmem:s23+$0x0];
	v12 =	vsub.f32 v12, v16;
	v19 =	vmin.f32 v15, $-1.000000000e+06;
	v11 =	vsub.f32 v15, v11  }
0x33: {  	v16 =	vld [tilespmem:s23+$0x500];
	v10 =	vsub.f32 v17, v10;
	v14 =	vsub.f32 v19, v14;
	v9 =	vmax.f32 v9, $9.999999930e-09  }
0x34: {  	v15 =	vld [tilespmem:s23+$0xA00];
	v11 =	vmul.f32 v11, v12;
	(erf) = vrcp.f32 v9  }
0x35: {  	v10 =	vmax.f32 v10, $0.0e+00;
	v9 =	vld [tilespmem:s23+$0xF00];
	v12 =	vmax.f32 v14, $0.0e+00  }
0x36: {  	s24 =	simm.s32 $0x30;
	v10 =	vmul.f32 v12, v10;
	v11 =	vadd.f32 $0.0e+00, v11  }
0x37: {  	v20 =	vld [tilespmem:s24+$0x0]  }
0x38: {  	v12 =	vmax.f32 v18, $-1.000000000e+06;
	v11 =	vsub.f32 v11, v10  }
0x39: {  	v17 =	vmax.f32 v16, $-1.000000000e+06;
	v19 =	vmin.f32 v15, $-1.000000000e+06;
	v15 =	vsub.f32 v15, v18;
	v18 =	vld [tilespmem:s24+$0x500]  }
0x3a: {  	v21 =	vmin.f32 v9, $-1.000000000e+06;
	v9 =	vsub.f32 v9, v16;
	v11 =	vmax.f32 v11, $9.999999930e-09;
	v16 =	vld [tilespmem:s24+$0xA00]  }
0x3b: {  	v12 =	vsub.f32 v19, v12;
	v17 =	vsub.f32 v21, v17;
	(erf) = vrcp.f32 v11;
	v21 =	vld [tilespmem:s24+$0xF00]  }
0x3c: {  	v23 =	vimm.s32 $0x0;
	v22 =	vmax.f32 v20, $-1.000000000e+06  }
0x3d: {  	v14 =	vld [tilespmem:s26+$0x1400];
	v19 =	vimm.f32 $-3.399999950e+38;
	v12 =	vmax.f32 v12, $0.0e+00;
	v9 =	vmul.f32 v9, v15;
	v11 =	vpop (erf)  }
0x3e: {  	v24 =	vmax.f32 v18, $-1.000000000e+06;
	v15 =	vmax.f32 v17, $0.0e+00;
	v13 =	vmul.f32 v11, v13  }
0x3f: {  	s25 =	simm.s32 $0x40;
	v11 =	vmul.f32 v15, v12;
	v12 =	vadd.f32 $0.0e+00, v9;
	v9 =	vor.u32 s4, v0  }
0x40: {  	v17 =	vld [tilespmem:s25+$0xA00];
	v25 =	vmin.f32 v16, $-1.000000000e+06;
	v28 =	vsub.f32 v16, v20;
	v27 =	vmin.f32 v21, $-1.000000000e+06  }
0x41: {  	v15 =	vld [tilespmem:s25+$0x0];
	v21 =	vsub.f32 v21, v18;
	vm0 =	vgt.f32 v13, $3.000000120e-01;
	v12 =	vsub.f32 v12, v11  }
0x42: {  	v16 =	vld [tilespmem:s25+$0x500];
	v22 =	vsub.f32 v25, v22;
	v20 =	vsub.f32 v27, v24;
	v26 =	vsel vm0, $0xCE6E6B28, v14  }
0x43: {  	v18 =	vld [tilespmem:s25+$0xF00];
	v21 =	vmul.f32 v21, v28;
	vm0 =	vgt.f32 v26, v19;
	v12 =	vmax.f32 v12, $9.999999930e-09  }
0x44: {  	s28 =	simm.s32 $0x140;
	v13 =	vld [tilespmem:s22+$0x1400];
	[tilespmem:s26+$0x1400] =	vst v26;
	s26 =	smov.u32 s4;
	v14 =	vsel vm0, v26, v19;
	(erf) = vrcp.f32 v12;
	v19 =	vpop (erf);
	v12 =	vsel vm0, v9, v23  }
.LBB2_2:
0x45: {  	v22 =	vmax.f32 v22, $0.0e+00;
	v20 =	vmax.f32 v20, $0.0e+00  }
0x46: {  	p1 =	sne.s32 s28, $0x13C0;
	v19 =	vmul.f32 v19, v10;
	s26 =	sadd.s32 $0x10, s26;
	v10 =	vmov v11;
	v11 =	vmul.f32 v20, v22  }
0x47: {  	v20 =	vadd.f32 $0.0e+00, v21;
	v23 =	vor.u32 s26, v0;
	v21 =	vmax.f32 v15, $-1.000000000e+06  }
0x48: {  	v24 =	vmax.f32 v16, $-1.000000000e+06;
	vm0 =	vgt.f32 v19, $3.000000120e-01;
	v19 =	vmin.f32 v17, $-1.000000000e+06  }
.Ltmp0:
0x49: {  	s29 =	sshra.s32 s28, $0x2;
	v20 =	vsub.f32 v20, v11;
	v22 =	vsel vm0, $0xCE6E6B28, v13;
	v13 =	vld [tilespmem:s23+$0x1400];
	(pc) =	sbr.rel @p1 .LBB2_2-.Ltmp0, $4  }
0x4a: {  	v26 =	vsub.f32 v17, v15;
	v25 =	vmin.f32 v18, $-1.000000000e+06;
	v15 =	vld [tilespmem:s29+$0x0];
	[tilespmem:s22+$0x1400] =	vst v22;
	vm0 =	vgt.f32 v22, v14;
	s22 =	smov.u32 s23;
	s23 =	smov.u32 s24;
	s24 =	smov.u32 s25  }
0x4b: {  	v27 =	vsub.f32 v18, v16;
	s25 =	smov.u32 s29;
	v16 =	vld [tilespmem:s29+$0x500];
	v18 =	vmax.f32 v20, $9.999999930e-09;
	v14 =	vsel vm0, v22, v14  }
0x4c: {  	v22 =	vsub.f32 v19, v21;
	v20 =	vsub.f32 v25, v24;
	v17 =	vld [tilespmem:s25+$0xA00];
	(erf) = vrcp.f32 v18  }
0x4d: {  	s28 =	sadd.s32 $0x40, s28;
	v12 =	vsel vm0, v23, v12;
	v21 =	vmul.f32 v27, v26;
	v18 =	vld [tilespmem:s25+$0xF00];
	v19 =	vpop (erf)  }
0x4e: {  	_ =	sdelay $0x1  }
0x4f: {  	v22 =	vmax.f32 v22, $0.0e+00  }
0x50: {  	v23 =	vmax.f32 v15, $-1.000000000e+06;
	v24 =	vmax.f32 v16, $-1.000000000e+06;
	v25 =	vmin.f32 v17, $-1.000000000e+06  }
0x51: {  	v43 =	vsub.f32 v17, v15;
	v44 =	vmin.f32 v18, $-1.000000000e+06;
	v45 =	vsub.f32 v18, v16  }
0x52: {  	v46 =	vmax.f32 v20, $0.0e+00;
	v47 =	vsub.f32 v25, v23;
	v17 =	vsub.f32 v44, v24  }
0x53: {  	v21 =	vadd.f32 $0.0e+00, v21;
	v18 =	vmul.f32 v46, v22;
	v15 =	vmul.f32 v45, v43  }
0x54: {  	v48 =	vmax.f32 v47, $0.0e+00;
	v17 =	vmax.f32 v17, $0.0e+00  }
0x55: {  	v49 =	vsub.f32 v21, v18;
	v16 =	vmul.f32 v17, v48;
	v15 =	vadd.f32 $0.0e+00, v15;
	_ =	sdelay $0x1  }
0x56: {  	v50 =	vmax.f32 v49, $9.999999930e-09;
	v15 =	vsub.f32 v15, v16  }
0x57: {  	(erf) = vrcp.f32 v50  }
0x58: {  	v15 =	vmax.f32 v15, $9.999999930e-09  }
0x59: {  	(erf) = vrcp.f32 v15;
	_ =	sdelay $0x3  }
0x5a: {  	v10 =	vmul.f32 v19, v10;
	v51 =	vld [tilespmem:s23+$0x1400]  }
0x5b: {  	v52 =	vpop (erf)  }
0x5c: {  	vm0 =	vgt.f32 v10, $3.000000120e-01;
	v10 =	vmul.f32 v52, v11;
	v11 =	vld [tilespmem:s24+$0x1400]  }
0x5d: {  	v13 =	vsel vm0, $0xCE6E6B28, v13;
	v53 =	vpop (erf)  }
0x5e: {  	v54 =	vld [tilespmem:s25+$0x1400];
	vm0 =	vgt.f32 v13, v14;
	vm1 =	vgt.f32 v10, $3.000000120e-01;
	v10 =	vmul.f32 v53, v18  }
0x5f: {  	v14 =	vsel vm0, v13, v14;
	v15 =	vsel vm1, $0xCE6E6B28, v51;
	v55 =	vpop (erf)  }
0x60: {  	vm1 =	vgt.f32 v15, v14;
	vm2 =	vgt.f32 v10, $3.000000120e-01;
	v10 =	vmul.f32 v55, v16  }
0x61: {  	v14 =	vsel vm1, v15, v14;
	v11 =	vsel vm2, $0xCE6E6B28, v11  }
0x62: {  	vm2 =	vgt.f32 v11, v14;
	vm3 =	vgt.f32 v10, $3.000000120e-01  }
0x63: {  	v10 =	vsel vm2, v11, v14;
	v56 =	vsel vm3, $0xCE6E6B28, v54  }
0x64: {  	vm3 =	vgt.f32 v56, v10  }
0x65: {  	v10 =	vsel vm3, v56, v10  }
0x66: {  	(xrf0) =	vmax.scan.msk.f32 $0xffff, v10;
	_ =	sdelay $0x2  }
0x67: {  	s26 =	sadd.s32 $0x10, s26  }
0x68: {  	v57 =	vor.u32 s26, v0;
	s26 =	sadd.s32 $0x10, s26  }
0x69: {  	v58 =	vor.u32 s26, v0;
	s26 =	sadd.s32 $0x10, s26;
	v12 =	vsel vm0, v57, v12  }
0x6a: {  	v59 =	vor.u32 s26, v0;
	s26 =	sadd.s32 $0x10, s26;
	v12 =	vsel vm1, v58, v12;
	v60, _, _ =	vpop (xrf0)  }
0x6b: {  	v61 =	vor.u32 s26, v0;
	v12 =	vsel vm2, v59, v12;
	v62 =	vbroadcast v60, $0xF  }
0x6c: {  	v12 =	vsel vm3, v61, v12  }
0x6d: {  	vm15 =	veq.f32 v10, v62;
	v10 =	vxor.u32 $0x80000000, v12  }
0x6e: {  	v10 =	vnsel vm15, $0xFFFFFFFF, v10  }
0x6f: {  	(xrf0) =	vmin.scan.msk.u32 $0xffff, v10;
	_ =	sdelay $0x5  }
0x70: {  	(v2sf) =	vpush v60, $0xF;
	v10, _, _ =	vpop (xrf0)  }
0x71: {  	(v2sf) =	vpush v10, $0xF;
	_ =	sdelay $0xd  }
0x72: {  	s28 =	spop (v2sf)  }
0x73: {  	s31 =	spop (v2sf)  }
0x74: {  	s29 =	sxor.u32 $0x80000000, s31  }
0x75: {  	s26 =	ssub.s32 s29, s4  }
0x76: {  	v10 =	vmov s26  }
0x77: {  	[tilespmem:s22+$0x1400] =	vst v13  }
0x78: {  	[tilespmem:s23+$0x1400] =	vst v15  }
0x79: {  	[tilespmem:s24+$0x1400] =	vst v11  }
0x7a: {  	s22 =	simm.s32 $0x0;
	[tilespmem:s25+$0x1400] =	vst v56  }
0x7b: {  	v11 =	vld.idx.msk [tilespmem:v10+s22+$0x0], $0xffff  }
0x7c: {  	v63 =	vld.idx.msk [tilespmem:v10+s14+$0x0], $0xffff  }
0x7d: {  	v13 =	vld.idx.msk [tilespmem:v10+s15+$0x0], $0xffff  }
0x7e: {  	v10 =	vld.idx.msk [tilespmem:v10+s16+$0x0], $0xffff;
	_ =	sdelay $0x1  }
0x7f: {  	(xrf0) =	vmax.scan.msk.f32 $0xffff, v11  }
0x80: {  	(xrf0) =	vmax.scan.msk.f32 $0xffff, v63  }
0x81: {  	(xrf0) =	vmax.scan.msk.f32 $0xffff, v13  }
0x82: {  	(xrf0) =	vmax.scan.msk.f32 $0xffff, v10;
	_ =	sdelay $0x2  }
0x83: {  	v10, _, _ =	vpop (xrf0)  }
0x84: {  	v11, _, _ =	vpop (xrf0);
	(v2sf) =	vpush v10, $0xF  }
0x85: {  	v10, _, _ =	vpop (xrf0);
	(v2sf) =	vpush v11, $0xF  }
0x86: {  	(v2sf) =	vpush v10, $0xF;
	v10, _, _ =	vpop (xrf0)  }
0x87: {  	(v2sf) =	vpush v10, $0xF;
	_ =	sdelay $0xb  }
0x88: {  	s25 =	spop (v2sf)  }
0x89: {  	s24 =	spop (v2sf)  }
0x8a: {  	s30 =	spop (v2sf)  }
0x8b: {  	s26 =	spop (v2sf)  }
.LBB2_4:
0x8c: {  	s23 =	scvt.s32.f32 s22;
	_ =	sdelay $0x1  }
0x8d: {  	s29 =	scvt.s32.f32 s29;
	vm0 =	veq.s32 v0, $0x0;
	v10 =	vmov s23  }
0x8e: {  	vm11 =	veq.s32 v0, $0x1;
	v10 =	vsel vm0, s28, v10  }
0x8f: {  	vm12 =	veq.s32 v0, $0x2;
	v10 =	vsel vm11, s29, v10  }
0x90: {  	vm13 =	veq.s32 v0, $0x3;
	v10 =	vsel vm12, s25, v10  }
0x91: {  	vm14 =	veq.s32 v0, $0x4;
	v10 =	vsel vm13, s24, v10  }
0x92: {  	vm15 =	veq.s32 v0, $0x5;
	s31 =	sshll.u32 s22, $0x8;
	v10 =	vsel vm14, s30, v10  }
0x93: {  	s24 =	sand.u32 $0x100, s31;
	v10 =	vsel vm15, s26, v10  }
0x94: {  	s25 =	sadd.s32 s24, s11;
	s26 =	simm.s32 $0x0;
	[tilespmem:$0x1900] =	vst v10  }
.LBB2_5:
0x95: {  	[spmem:s25] =	stream.linear.scatter [tilespmem:s18], [sflag:$0x1], $0x10, $0x38;
	[tilespmem:$0x3AA0] =	vst v63  }
0x96: {  	_ =	swait.ge [sflag:s13], $0x10  }
0x97: {  	[sflag:s13] =	ssyncset.done $0x0  }
0x98: {  	[sflag:s13] =	ssyncadd.s32 $0xFFFFFFF0  }
0x99: {  	[tilespmem:s19], [sflag:$0x1] =	stream.linear.gather [spmem:s25], $0x10, $0x38;
	[tilespmem:$0x3AA0] =	vst v63  }
0x9a: {  	_ =	swait.ge [sflag:s13], $0x10  }
0x9b: {  	[sflag:s13] =	ssyncset.done $0x0  }
0x9c: {  	[sflag:s13] =	ssyncadd.s32 $0xFFFFFFF0  }
0x9d: {  	v11 =	vld [tilespmem:$0x1980];
	_ =	sdelay $0x4  }
0x9e: {  	vm0 =	veq.f32 v11, v10  }
0x9f: {  	v11 =	vsel vm0, $0x3F800000, v2  }
0xa0: {  	(xrf0) =	vmin.scan.msk.f32 $0xffff, v11;
	_ =	sdelay $0x5  }
0xa1: {  	v11, _, _ =	vpop (xrf0)  }
0xa2: {  	(v2sf) =	vpush v11, $0xF;
	_ =	sdelay $0xe  }
0xa3: {  	p1 =	sgt.u32 s26, $0xE;
	s28 =	spop (v2sf)  }
0xa4: {  	p2 =	sgt.f32 @!p1 s28, $0.0e+00;
	_ =	sdelay $0x1  }
0xa5: {  	p1 =	por p1, p2  }
.Ltmp1:
0xa6: {  	_ = 	snop;
	(pc) =	sbr.rel @!p1 .LBB2_5-.Ltmp1, $2  }
0xa7: {  	_ =	sdelay $0x2  }
0xa8: {  	s26 =	sadd.s32 $0x1, s26  }
0xa9: {  	[bflag:$0x0] =	sbarrier.arrive $0xFFFF;
	s24 =	sadd.s32 s24, s3;
	s25 =	simm.s32 $0x0  }
.LBB2_7:
0xaa: {  	[tilespmem:s20], [sflag:$0x1] =	stream.linear.gather [spmem:s24], $0x100, $0x38;
	[tilespmem:$0x3AA0] =	vst v63  }
0xab: {  	_ =	swait.ge [sflag:s13], $0x100  }
0xac: {  	[sflag:s13] =	ssyncset.done $0x0  }
0xad: {  	[sflag:s13] =	ssyncadd.s32 $0xFFFFFF00  }
0xae: {  	v10 =	vld.idx.msk [tilespmem:v3+s20+$0x0], $0xffff;
	_ =	sdelay $0x4  }
0xaf: {  	(xrf0) =	vmin.scan.msk.f32 $0xffff, v10;
	_ =	sdelay $0x5  }
0xb0: {  	v10, _, _ =	vpop (xrf0)  }
0xb1: {  	(v2sf) =	vpush v10, $0xF;
	_ =	sdelay $0xe  }
0xb2: {  	p1 =	sgt.u32 s25, $0x3E;
	s26 =	spop (v2sf)  }
0xb3: {  	p2 =	sne.f32 @!p1 s26, s23;
	_ =	sdelay $0x1  }
0xb4: {  	p1 =	por p1, !p2  }
.Ltmp2:
0xb5: {  	_ = 	snop;
	(pc) =	sbr.rel @!p1 .LBB2_7-.Ltmp2, $2  }
0xb6: {  	_ =	sdelay $0x2  }
0xb7: {  	s25 =	sadd.s32 $0x1, s25  }
0xb8: {  	_ =	sdelay $0x3  }
0xb9: {  	v10 =	vld.idx.msk [tilespmem:v1+s20+$0x0], $0xffff;
	_ =	sdelay $0x4  }
0xba: {  	(xrf0) =	vmax.scan.msk.f32 $0xffff, v10;
	_ =	sdelay $0x4  }
0xbb: {  	v11 =	vld.idx.msk [tilespmem:v4+s20+$0x0], $0xffff  }
0xbc: {  	v12, _, _ =	vpop (xrf0)  }
0xbd: {  	v13 =	vbroadcast v12, $0xF;
	_ =	sdelay $0x1  }
0xbe: {  	vm0 =	veq.f32 v10, v13  }
0xbf: {  	v10 =	vnsel vm0, $0x7F7FC99E, v11  }
0xc0: {  	(xrf0) =	vmin.scan.msk.f32 $0xffff, v10;
	_ =	sdelay $0x4  }
0xc1: {  	v10 =	vld.idx.msk [tilespmem:v5+s20+$0x0], $0xffff  }
0xc2: {  	v13 =	vld.idx.msk [tilespmem:v6+s20+$0x0], $0xffff;
	v14, _, _ =	vpop (xrf0)  }
0xc3: {  	v15 =	vld.idx.msk [tilespmem:v7+s20+$0x0], $0xffff;
	v14 =	vbroadcast v14, $0xF  }
0xc4: {  	v16 =	vld.idx.msk [tilespmem:v8+s20+$0x0], $0xffff  }
0xc5: {  	vm14 =	veq.f32 v11, v14  }
0xc6: {  	v10 =	vnsel vm14, $0x0, v10  }
0xc7: {  	(xrf2) =	vadd.scan.msk.f32 $0xffff, v10;
	v10 =	vnsel vm14, $0x0, v13  }
0xc8: {  	(xrf2) =	vadd.scan.msk.f32 $0xffff, v10;
	v10 =	vnsel vm14, $0x0, v15  }
0xc9: {  	(xrf2) =	vadd.scan.msk.f32 $0xffff, v10;
	v10 =	vnsel vm14, $0x0, v16  }
0xca: {  	(xrf2) =	vadd.scan.msk.f32 $0xffff, v10;
	_ =	sdelay $0x4  }
0xcb: {  	(v2sf) =	vpush v12, $0xF;
	_ =	sdelay $0x1  }
0xcc: {  	v10, _, _ =	vpop (xrf2)  }
0xcd: {  	v11, _, _ =	vpop (xrf2);
	(v2sf) =	vpush v10, $0xF  }
0xce: {  	v10, _, _ =	vpop (xrf2);
	(v2sf) =	vpush v11, $0xF  }
0xcf: {  	(v2sf) =	vpush v10, $0xF;
	v10, _, _ =	vpop (xrf2)  }
0xd0: {  	(v2sf) =	vpush v10, $0xF;
	_ =	sdelay $0x8  }
0xd1: {  	s23 =	spop (v2sf)  }
0xd2: {  	p1 =	sgt.f32 s23, $-5.000000000e+08  }
0xd3: {  	s24 =	simm.f32 $1.000000000e+00  }
0xd4: {  	s24 =	simm.s32 @!p1 $0x0;
	s25 =	spop (v2sf)  }
0xd5: {  	s26 =	spop (v2sf);
	s28 =	smul.f32 s25, s24  }
0xd6: {  	s30 =	sshll.u32 s22, $0x4;
	s29 =	spop (v2sf);
	s31 =	smul.f32 s26, s24  }
0xd7: {  	s1 =	spop (v2sf);
	v10 =	vmov s28;
	s28 =	sand.u32 $0x3FFFFFF0, s30;
	s0 =	smul.f32 s29, s24  }
0xd8: {  	[tilespmem:s28+$0x1B00] =	vst v10;
	v10 =	vmov s31;
	s31 =	smul.f32 s1, s24  }
0xd9: {  	s23 =	smul.f32 s24, s23;
	s30 =	sand.u32 $0x7F0, s30;
	v11 =	vmov s0;
	[tilespmem:s28+$0x2140] =	vst v10  }
0xda: {  	[tilespmem:s30+$0x2780] =	vst v11;
	v10 =	vmov s31  }
0xdb: {  	[tilespmem:s28+$0x2DC0] =	vst v10;
	v10 =	vmov s23  }
0xdc: {  	s28 =	simm.s32 $0x0;
	[tilespmem:s30+$0x3400] =	vst v10  }
0xdd: {  	v14 =	vld [tilespmem:s28+$0x0]  }
0xde: {  	v15 =	vld [tilespmem:s28+$0x500]  }
0xdf: {  	v16 =	vld [tilespmem:s28+$0xA00]  }
0xe0: {  	v17 =	vld [tilespmem:s28+$0xF00]  }
0xe1: {  	s29 =	simm.s32 @!p1 $0xC9742400  }
0xe2: {  	s25 =	simm.s32 @!p1 $0xC9742400;
	s26 =	simm.s32 @!p1 $0xC9742400;
	s1 =	simm.s32 @!p1 $0xC9742400;
	v12 =	vmov s29  }
0xe3: {  	v13 =	vmov s1;
	s1 =	ssub.f32 s1, s26;
	v11 =	vmov s26;
	s23 =	simm.s32 $0x10;
	v10 =	vmov s25  }
0xe4: {  	s31 =	ssub.f32 s29, s25;
	v21 =	vld [tilespmem:s23+$0x0];
	v18 =	vmax.f32 v10, v14;
	v19 =	vmax.f32 v11, v15;
	v20 =	vmin.f32 v12, v16  }
0xe5: {  	v22 =	vmin.f32 v13, v17;
	v14 =	vsub.f32 v16, v14;
	v16 =	vld [tilespmem:s23+$0x500];
	v15 =	vsub.f32 v17, v15  }
0xe6: {  	s0 =	smul.f32 s1, s31;
	v17 =	vld [tilespmem:s23+$0xA00];
	v18 =	vsub.f32 v20, v18;
	v19 =	vsub.f32 v22, v19  }
0xe7: {  	v20 =	vld [tilespmem:s23+$0xF00];
	v15 =	vmul.f32 v15, v14  }
0xe8: {  	v14 =	vmov s0;
	v18 =	vmax.f32 v18, $0.0e+00;
	v19 =	vmax.f32 v19, $0.0e+00  }
0xe9: {  	v18 =	vmul.f32 v19, v18;
	v15 =	vadd.f32 v15, v14  }
0xea: {  	v19 =	vmax.f32 v10, v21  }
0xeb: {  	s24 =	simm.s32 $0x20;
	v22 =	vmax.f32 v11, v16;
	v23 =	vmin.f32 v12, v17;
	v15 =	vsub.f32 v15, v18  }
0xec: {  	v24 =	vld [tilespmem:s24+$0x0];
	v17 =	vsub.f32 v17, v21;
	v25 =	vmin.f32 v13, v20;
	v16 =	vsub.f32 v20, v16  }
0xed: {  	v21 =	vld [tilespmem:s24+$0x500];
	v19 =	vsub.f32 v23, v19;
	v22 =	vsub.f32 v25, v22;
	v15 =	vmax.f32 v15, $9.999999930e-09  }
0xee: {  	v20 =	vld [tilespmem:s24+$0xA00];
	v16 =	vmul.f32 v16, v17;
	(erf) = vrcp.f32 v15  }
0xef: {  	v23 =	vld [tilespmem:s24+$0xF00];
	v15 =	vmax.f32 v19, $0.0e+00;
	v17 =	vmax.f32 v22, $0.0e+00  }
0xf0: {  	v15 =	vmul.f32 v17, v15;
	v16 =	vadd.f32 v16, v14  }
0xf1: {  	s25 =	simm.s32 $0x30  }
0xf2: {  	v26 =	vld [tilespmem:s25+$0x0];
	v17 =	vmax.f32 v10, v24;
	v16 =	vsub.f32 v16, v15  }
0xf3: {  	v22 =	vmax.f32 v11, v21;
	v25 =	vmin.f32 v12, v20;
	v20 =	vsub.f32 v20, v24;
	v24 =	vld [tilespmem:s25+$0x500]  }
0xf4: {  	v27 =	vmin.f32 v13, v23;
	v21 =	vsub.f32 v23, v21;
	v23 =	vld [tilespmem:s25+$0xA00];
	v16 =	vmax.f32 v16, $9.999999930e-09  }
0xf5: {  	v17 =	vsub.f32 v25, v17;
	v22 =	vsub.f32 v27, v22;
	v25 =	vld [tilespmem:s25+$0xF00];
	(erf) = vrcp.f32 v16  }
0xf6: {  	v28 =	vimm.s32 $0x0;
	v19 =	vld [tilespmem:s28+$0x1400];
	v20 =	vmul.f32 v21, v20  }
0xf7: {  	v29 =	vmax.f32 v10, v26;
	v17 =	vmax.f32 v17, $0.0e+00;
	v21 =	vmax.f32 v22, $0.0e+00;
	v16 =	vpop (erf)  }
0xf8: {  	v18 =	vmul.f32 v16, v18;
	v16 =	vmul.f32 v21, v17;
	v17 =	vadd.f32 v20, v14  }
0xf9: {  	s26 =	simm.s32 $0x40;
	v27 =	vimm.f32 $-3.399999950e+38;
	v30 =	vmax.f32 v11, v24;
	v31 =	vmin.f32 v12, v23  }
0xfa: {  	v22 =	vld [tilespmem:s26+$0xA00];
	v24 =	vsub.f32 v25, v24;
	vm15 =	vgt.f32 v18, $3.000000120e-01;
	v17 =	vsub.f32 v17, v16  }
0xfb: {  	v26 =	vsub.f32 v23, v26;
	v33 =	vmin.f32 v13, v25;
	v20 =	vld [tilespmem:s26+$0x0];
	v32 =	vsel vm15, $0xCE6E6B28, v19  }
0xfc: {  	v25 =	vsub.f32 v33, v30;
	v21 =	vld [tilespmem:s26+$0x500];
	vm0 =	vgt.f32 v32, v27;
	v17 =	vmax.f32 v17, $9.999999930e-09  }
0xfd: {  	v18 =	vld [tilespmem:s23+$0x1400];
	v19 =	vsel vm0, v32, v27;
	v27 =	vsub.f32 v31, v29;
	(erf) = vrcp.f32 v17  }
0xfe: {  	s29 =	simm.s32 $0x140;
	v23 =	vld [tilespmem:s26+$0xF00];
	v26 =	vmul.f32 v24, v26;
	[tilespmem:s28+$0x1400] =	vst v32;
	s28 =	smov.u32 s4;
	v24 =	vpop (erf);
	v17 =	vsel vm0, v9, v28  }
.LBB2_9:
0xff: {  	p1 =	sne.s32 s29, $0x13C0;
	v27 =	vmax.f32 v27, $0.0e+00;
	v25 =	vmax.f32 v25, $0.0e+00;
	v24 =	vmul.f32 v24, v15;
	s28 =	sadd.s32 $0x10, s28;
	v15 =	vmovc v16  }
0x100: {  	v16 =	vmul.f32 v25, v27;
	v25 =	vadd.f32 v26, v14;
	v28 =	vor.u32 s28, v0  }
0x101: {  	v26 =	vmax.f32 v10, v20;
	v29 =	vmax.f32 v11, v21;
	vm0 =	vgt.f32 v24, $3.000000120e-01  }
.Ltmp3:
0x102: {  	s0 =	sshra.s32 s29, $0x2;
	v24 =	vmin.f32 v12, v22;
	v25 =	vsub.f32 v25, v16;
	v27 =	vsel vm0, $0xCE6E6B28, v18;
	v18 =	vld [tilespmem:s24+$0x1400];
	(pc) =	sbr.rel @p1 .LBB2_9-.Ltmp3, $4  }
0x103: {  	v31 =	vsub.f32 v22, v20;
	v30 =	vmin.f32 v13, v23;
	v20 =	vld [tilespmem:s0+$0x0];
	[tilespmem:s23+$0x1400] =	vst v27;
	vm0 =	vgt.f32 v27, v19;
	s23 =	smov.u32 s24;
	s24 =	smov.u32 s25;
	s25 =	smov.u32 s26  }
0x104: {  	v32 =	vsub.f32 v23, v21;
	s26 =	smov.u32 s0;
	v21 =	vld [tilespmem:s0+$0x500];
	v23 =	vmax.f32 v25, $9.999999930e-09;
	v19 =	vsel vm0, v27, v19  }
0x105: {  	v27 =	vsub.f32 v24, v26;
	v25 =	vsub.f32 v30, v29;
	v22 =	vld [tilespmem:s26+$0xA00];
	(erf) = vrcp.f32 v23  }
0x106: {  	s29 =	sadd.s32 $0x40, s29;
	v17 =	vsel vm0, v28, v17;
	v26 =	vmul.f32 v32, v31;
	v23 =	vld [tilespmem:s26+$0xF00];
	v24 =	vpop (erf)  }
0x107: {  	_ =	sdelay $0x1  }
0x108: {  	v27 =	vmax.f32 v27, $0.0e+00  }
0x109: {  	v10 =	vmax.f32 v10, v20;
	v11 =	vmax.f32 v11, v21;
	v12 =	vmin.f32 v12, v22  }
0x10a: {  	v44 =	vsub.f32 v22, v20;
	v13 =	vmin.f32 v13, v23;
	v45 =	vsub.f32 v23, v21  }
0x10b: {  	v46 =	vmax.f32 v25, $0.0e+00;
	v10 =	vsub.f32 v12, v10;
	v11 =	vsub.f32 v13, v11  }
0x10c: {  	v47 =	vmul.f32 v46, v27;
	v48 =	vadd.f32 v26, v14;
	v20 =	vmul.f32 v45, v44  }
0x10d: {  	v10 =	vmax.f32 v10, $0.0e+00;
	v11 =	vmax.f32 v11, $0.0e+00  }
0x10e: {  	v13 =	vsub.f32 v48, v47;
	v10 =	vmul.f32 v11, v10;
	v11 =	vadd.f32 v20, v14;
	_ =	sdelay $0x1  }
0x10f: {  	v13 =	vmax.f32 v13, $9.999999930e-09;
	v11 =	vsub.f32 v11, v10  }
0x110: {  	(erf) = vrcp.f32 v13  }
0x111: {  	v11 =	vmax.f32 v11, $9.999999930e-09  }
0x112: {  	(erf) = vrcp.f32 v11;
	_ =	sdelay $0x3  }
0x113: {  	v49 =	vld [tilespmem:s24+$0x1400];
	v11 =	vmul.f32 v24, v15  }
0x114: {  	v50 =	vpop (erf)  }
0x115: {  	v51 =	vld [tilespmem:s25+$0x1400];
	vm0 =	vgt.f32 v11, $3.000000120e-01;
	v11 =	vmul.f32 v50, v16  }
0x116: {  	v52 =	vsel vm0, $0xCE6E6B28, v18;
	v53 =	vpop (erf)  }
0x117: {  	v54 =	vld [tilespmem:s26+$0x1400];
	vm0 =	vgt.f32 v52, v19;
	vm1 =	vgt.f32 v11, $3.000000120e-01;
	v11 =	vmul.f32 v53, v47  }
0x118: {  	v55 =	vsel vm0, v52, v19;
	v13 =	vsel vm1, $0xCE6E6B28, v49;
	v56 =	vpop (erf)  }
0x119: {  	vm1 =	vgt.f32 v13, v55;
	vm2 =	vgt.f32 v11, $3.000000120e-01;
	v10 =	vmul.f32 v56, v10  }
0x11a: {  	v11 =	vsel vm1, v13, v55;
	v14 =	vsel vm2, $0xCE6E6B28, v51  }
0x11b: {  	vm2 =	vgt.f32 v14, v11;
	vm3 =	vgt.f32 v10, $3.000000120e-01  }
0x11c: {  	v10 =	vsel vm2, v14, v11;
	v11 =	vsel vm3, $0xCE6E6B28, v54  }
0x11d: {  	vm3 =	vgt.f32 v11, v10  }
0x11e: {  	v10 =	vsel vm3, v11, v10  }
0x11f: {  	(xrf0) =	vmax.scan.msk.f32 $0xffff, v10;
	_ =	sdelay $0x2  }
0x120: {  	s0 =	sadd.s32 $0x10, s28  }
0x121: {  	v57 =	vor.u32 s0, v0;
	s0 =	sadd.s32 $0x10, s0  }
0x122: {  	v58 =	vor.u32 s0, v0;
	s0 =	sadd.s32 $0x10, s0;
	v12 =	vsel vm0, v57, v17  }
0x123: {  	v59 =	vor.u32 s0, v0;
	s0 =	sadd.s32 $0x10, s0;
	v12 =	vsel vm1, v58, v12;
	v60, _, _ =	vpop (xrf0)  }
0x124: {  	v61 =	vor.u32 s0, v0;
	v12 =	vsel vm2, v59, v12;
	v62 =	vbroadcast v60, $0xF  }
0x125: {  	v12 =	vsel vm3, v61, v12  }
0x126: {  	vm15 =	veq.f32 v10, v62;
	v10 =	vxor.u32 $0x80000000, v12  }
0x127: {  	v10 =	vnsel vm15, $0xFFFFFFFF, v10  }
0x128: {  	(xrf0) =	vmin.scan.msk.u32 $0xffff, v10;
	_ =	sdelay $0x5  }
0x129: {  	(v2sf) =	vpush v60, $0xF;
	v10, _, _ =	vpop (xrf0)  }
0x12a: {  	(v2sf) =	vpush v10, $0xF;
	_ =	sdelay $0xd  }
0x12b: {  	s28 =	spop (v2sf)  }
0x12c: {  	s31 =	spop (v2sf)  }
0x12d: {  	s29 =	sxor.u32 $0x80000000, s31  }
0x12e: {  	s0 =	ssub.s32 s29, s4  }
0x12f: {  	v10 =	vmov s0  }
0x130: {  	[tilespmem:s23+$0x1400] =	vst v52  }
0x131: {  	[tilespmem:s24+$0x1400] =	vst v13  }
0x132: {  	[tilespmem:s25+$0x1400] =	vst v14  }
0x133: {  	[tilespmem:s26+$0x1400] =	vst v11  }
0x134: {  	v11 =	vld.idx.msk [tilespmem:v10+s5+$0x0], $0xffff  }
0x135: {  	v63 =	vld.idx.msk [tilespmem:v10+s14+$0x0], $0xffff  }
0x136: {  	v13 =	vld.idx.msk [tilespmem:v10+s15+$0x0], $0xffff  }
0x137: {  	v10 =	vld.idx.msk [tilespmem:v10+s16+$0x0], $0xffff;
	_ =	sdelay $0x1  }
0x138: {  	(xrf0) =	vmax.scan.msk.f32 $0xffff, v11  }
0x139: {  	(xrf0) =	vmax.scan.msk.f32 $0xffff, v63  }
0x13a: {  	(xrf0) =	vmax.scan.msk.f32 $0xffff, v13  }
0x13b: {  	(xrf0) =	vmax.scan.msk.f32 $0xffff, v10;
	_ =	sdelay $0x2  }
0x13c: {  	v10, _, _ =	vpop (xrf0)  }
0x13d: {  	v11, _, _ =	vpop (xrf0);
	(v2sf) =	vpush v10, $0xF  }
0x13e: {  	v10, _, _ =	vpop (xrf0);
	(v2sf) =	vpush v11, $0xF  }
0x13f: {  	(v2sf) =	vpush v10, $0xF;
	v10, _, _ =	vpop (xrf0)  }
0x140: {  	(v2sf) =	vpush v10, $0xF;
	_ =	sdelay $0x8  }
0x141: {  	s22 =	sadd.s32 $0x1, s22  }
0x142: {  	p1 =	sne.s32 s22, $0x64  }
.Ltmp4:
0x143: {  	_ = 	snop;
	(pc) =	sbr.rel @p1 .LBB2_4-.Ltmp4, $4  }
0x144: {  	s25 =	spop (v2sf)  }
0x145: {  	s24 =	spop (v2sf)  }
0x146: {  	s30 =	spop (v2sf)  }
0x147: {  	s26 =	spop (v2sf)  }
0x148: {  	s0 =	simm.s32 @!p0 $0x0;
	s1 =	simm.s32 @!p0 $0x1B00;
	s21 =	sadd.s32 $0x1, s21  }
0x149: {  	[hbm4b:s2+s0] =	stream.linear.scatter @!p0 [tilespmem:s1], [sflag:$0x1], $0x1F80, $0x38;
	[tilespmem:$0x3AA0] =	vst v63  }
0x14a: {  	p1 =	sne.s32 s21, s12  }
.Ltmp5:
0x14b: {  	_ = 	snop;
	(pc) =	sbr.rel @p1 .LBB2_1-.Ltmp5, $4  }
0x14c: {  	s0 =	simm.s32 @!p0 $0x1  }
0x14d: {  	_ =	swait.ge @!p0 [sflag:s0], $0x1F80  }
0x14e: {  	[sflag:s0] =	ssyncset.done @!p0 $0x0  }
0x14f: {  	[sflag:s0] =	ssyncadd.s32 @!p0 $0xFFFFE080  }
0x150: {  	_ =	sfence.sel $0x180000  }
0x151: {  	[bflag:$0x0] =	sbarrier.arrive $0xFFFF  }
0x152: {  	_ =	strace $0x90000047  }
0x153: {  	s0 =	stileid.u32;
	[bflag:$0x2] =	sbarrier.arrive $0xFFFF  }
0x154: {  	p0 =	sne.s32 s0, $0x0;
	s0 =	rddreg [dreg:$0x7]  }
0x155: {  	s0 =	sadd.s32 @!p0 $0x100000, s0  }
0x156: {  	[sflag:s0] =	ssyncadd.tile.s32 @!p0 $0x1;
	_ =	shalt  }
.Lfunc_end2:
_tile_overlayer_lowered:
.L_overlay_start_2:
0x157: {  	(tag) =	ssettag $0x2  }
0x158: {  	s0 =	rddreg [dreg:$0x0];
	s2 =	stileid.u32  }
0x159: {  	s1 =	rddreg [dreg:$0x1];
	p0 =	sne.s32 s2, $0x0  }
0x15a: {  	s3 =	rddreg [dreg:$0x2];
	[bflag:$0x3] =	sbarrier.arrive $0xFFFF;
	s2 =	simm.s32 @!p0 $0x1C01  }
0x15b: {  	[timem:s3], [sflag:s2] =	dma.local @!p0 [hbm:s0], s1  }
0x15c: {  	s0 =	simm.s32 @!p0 $0x1  }
0x15d: {  	_ =	swait.ge @!p0 [sflag:s0], s1  }
0x15e: {  	s1 =	ssub.s32 @!p0 $0x0, s1;
	[sflag:s0] =	ssyncset.done @!p0 $0x0  }
0x15f: {  	[sflag:s0] =	ssyncadd.s32 @!p0 s1  }
0x160: {  	[bflag:$0x3] =	sbarrier.arrive $0xFFFF  }
0x161: {  	_ =	shalt  }

</sc_bundles>
